<compile_context>
chip_gen: v7x
topology: tpu7x:2x2x1
jax: 0.10.2.dev20260603
libtpu: 0.0.44.dev20260713+nightly
codegen_flags: <defaults>
</compile_context>

<pallas_src>
import functools

import jax
import jax.numpy as jnp
from jax import lax
from jax.experimental import pallas as pl
from jax.experimental.pallas import tpu as pltpu
from jax.experimental.pallas import tpu_sc as plsc


def _stage1_body(x_ref, w1t_ref, b1_ref, w2t_ref, b2_ref,
                 pmax_ref, amax_ref, col_ref):
    xb = x_ref[...]
    h = jnp.maximum(
        jnp.dot(xb, w1t_ref[...], preferred_element_type=jnp.float32)
        + b1_ref[...], 0.0)
    logits = (jnp.dot(h, w2t_ref[...], preferred_element_type=jnp.float32)
              + b2_ref[...])
    m = jnp.max(logits, axis=1, keepdims=True)
    e = jnp.exp(logits - m)
    s = jnp.sum(e, axis=1, keepdims=True)
    p = e / s
    br, ne = p.shape
    amax = jnp.argmax(p, axis=1).astype(jnp.int32)[:, None]
    onehot = jax.lax.broadcasted_iota(jnp.int32, (br, ne), 1) == amax
    masked = jnp.where(onehot, p, 0.0)
    pmax_ref[...] = jnp.max(p, axis=1, keepdims=True)
    amax_ref[...] = amax
    col_ref[...] = jnp.sum(masked, axis=0)[None, None, :]


def _sc_expand_body(pmax_hbm, amax_hbm, col_hbm, out_hbm,
                    colv, denom_v, pmax_v, amax_v, buf,
                    *, nc, nb, ne, rpw, capacity):
    wid = lax.axis_index("s") * nc + lax.axis_index("c")
    base = wid * rpw
    pltpu.sync_copy(col_hbm, colv)
    pltpu.sync_copy(pmax_hbm.at[pl.ds(base, rpw)], pmax_v)
    pltpu.sync_copy(amax_hbm.at[pl.ds(base, rpw)], amax_v)
    for q in range(ne // 16):
        acc = jnp.full((16,), 0.0001, dtype=jnp.float32)
        for j in range(nb):
            acc = acc + colv[pl.ds(j * ne + q * 16, 16)]
        denom_v[pl.ds(q * 16, 16)] = acc

    ch = buf.shape[0]

    def _zero_row(r, carry):
        for q in range(ne // 16):
            buf[r, pl.ds(q * 16, 16)] = jnp.zeros((16,), jnp.float32)
        return carry

    for c in range(rpw // ch):
        lax.fori_loop(0, ch, _zero_row, 0)
        for t in range(ch // 16):
            off = c * ch + t * 16
            idx16 = amax_v[pl.ds(off, 16)]
            p16 = pmax_v[pl.ds(off, 16)]
            d16 = plsc.load_gather(denom_v, [idx16])
            val16 = (p16 / d16) * capacity
            row16 = lax.iota(jnp.int32, 16) + t * 16
            plsc.store_scatter(buf, [row16, idx16], val16)
        pltpu.sync_copy(buf, out_hbm.at[pl.ds(base + c * ch, ch)])


def kernel(x, W1, b1, W2, b2):
    n, d = x.shape
    nh = W1.shape[0]
    ne = W2.shape[0]
    br = 4096
    nb = n // br
    capacity = float(n)

    w1t = W1.T
    w2t = W2.T
    b1r = b1.reshape(1, nh)
    b2r = b2.reshape(1, ne)

    pmax, amax, colpart = pl.pallas_call(
        _stage1_body,
        grid=(nb,),
        in_specs=[
            pl.BlockSpec((br, d), lambda i: (i, 0)),
            pl.BlockSpec((d, nh), lambda i: (0, 0)),
            pl.BlockSpec((1, nh), lambda i: (0, 0)),
            pl.BlockSpec((nh, ne), lambda i: (0, 0)),
            pl.BlockSpec((1, ne), lambda i: (0, 0)),
        ],
        out_specs=[
            pl.BlockSpec((br, 1), lambda i: (i, 0)),
            pl.BlockSpec((br, 1), lambda i: (i, 0)),
            pl.BlockSpec((1, 1, ne), lambda i: (i, 0, 0)),
        ],
        out_shape=[
            jax.ShapeDtypeStruct((n, 1), jnp.float32),
            jax.ShapeDtypeStruct((n, 1), jnp.int32),
            jax.ShapeDtypeStruct((nb, 1, ne), jnp.float32),
        ],
        compiler_params=pltpu.CompilerParams(
            dimension_semantics=("parallel",)),
    )(x, w1t, b1r, w2t, b2r)

    info = plsc.get_sparse_core_info()
    nc, ns = info.num_cores, info.num_subcores
    rpw = n // (nc * ns)
    mesh = plsc.VectorSubcoreMesh(core_axis_name="c", subcore_axis_name="s")
    out = pl.kernel(
        functools.partial(_sc_expand_body, nc=nc, nb=nb, ne=ne, rpw=rpw,
                          capacity=capacity),
        out_type=jax.ShapeDtypeStruct((n, ne), jnp.float32),
        mesh=mesh,
        compiler_params=pltpu.CompilerParams(needs_layout_passes=False),
        scratch_types=[
            pltpu.VMEM((nb * ne,), jnp.float32),
            pltpu.VMEM((128,), jnp.float32),
            pltpu.VMEM((rpw,), jnp.float32),
            pltpu.VMEM((rpw,), jnp.int32),
            pltpu.VMEM((256, ne), jnp.float32),
        ],
    )(pmax.reshape(n), amax.reshape(n), colpart.reshape(nb * ne))

    return out

# --- scband reference (transcript-rebuilt; emitter-appended) ---
"""Pipeline reference for scband-gating-network-with-top-k-84765474554319 (READ-ONLY COPY).

The authoritative reference and input builder live on the scoring server;
editing this copy changes nothing except your own understanding.
"""

import jax, jax.numpy as jnp
import numpy as np

def setup_inputs(seed: int = 0) -> dict:
    key = jax.random.key(seed)
    k1, k2, k3 = jax.random.split(key, 3)
    x = jax.random.normal(k1, (32768, 768), dtype=jnp.float32)
    W1 = jax.random.normal(k2, (128, 768), dtype=jnp.float32) * (1.0 / np.sqrt(768.0))
    b1 = jnp.zeros((128,), dtype=jnp.float32)
    W2 = jax.random.normal(k3, (64, 128), dtype=jnp.float32) * (1.0 / np.sqrt(128.0))
    b2 = jnp.zeros((64,), dtype=jnp.float32)
    return {"x": x, "W1": W1, "b1": b1, "W2": W2, "b2": b2}

def reference(x, W1, b1, W2, b2):
    h = jnp.maximum(jnp.dot(x, W1.T) + b1, 0.0)
    logits = jnp.dot(h, W2.T) + b2
    gate_scores = jax.nn.softmax(logits, axis=-1)
    capacity = float(int(1.0 * x.shape[0]))
    _, top_k_indices = jax.lax.top_k(gate_scores, 1)
    rows = jnp.arange(gate_scores.shape[0])[:, None]
    mask = jnp.zeros_like(gate_scores).at[rows, top_k_indices].set(1.0)
    masked_gate_scores = gate_scores * mask
    denominators = jnp.sum(masked_gate_scores, axis=0, keepdims=True) + 0.0001
    out = masked_gate_scores / denominators * capacity
    return out

if __name__ == "__main__":
    import jax
    _d = setup_inputs()
    print(jax.jit(kernel)(*tuple(_d.values())))

</pallas_src>

<mosaic_0001>
#map = affine_map<(d0, d1) -> (0)>
#map1 = affine_map<(d0, d1) -> (0, 0)>
module attributes {stable_mosaic.version = 14 : i64} {
  func.func @_sc_expand_body(%arg0: i32, %arg1: i32, %arg2: memref<32768xf32, #tpu.memory_space<hbm>>, %arg3: memref<32768xi32, #tpu.memory_space<hbm>>, %arg4: memref<512xf32, #tpu.memory_space<hbm>>, %arg5: memref<32768x64xf32, #tpu.memory_space<hbm>>, %arg6: memref<512xf32, #tpu.memory_space<vmem>>, %arg7: memref<128xf32, #tpu.memory_space<vmem>>, %arg8: memref<1024xf32, #tpu.memory_space<vmem>>, %arg9: memref<1024xi32, #tpu.memory_space<vmem>>, %arg10: memref<256x64xf32, #tpu.memory_space<vmem>>) attributes {dimension_semantics = [#tpu.dimension_semantics<core_parallel>, #tpu.dimension_semantics<subcore_parallel>], iteration_bounds = array<i64: 2, 16>, scalar_prefetch = 0 : i64, scratch_operands = 5 : i64, tpu.core_type = #tpu.core_type<sc_vector_subcore>, window_params = [{transform_indices = #map}, {transform_indices = #map}, {transform_indices = #map}, {transform_indices = #map1}]} {
    %mul3A = arith.constant 2 : i32
    %mul3A_0 = arith.muli %arg1, %mul3A : i32
    %add3A = arith.addi %mul3A_0, %arg0 : i32
    %mul3A_1 = arith.constant 1024 : i32
    %mul3A_2 = arith.muli %add3A, %mul3A_1 : i32
    "tpu.region"() ({
      %run_scoped3A = tpu.sem_alloc : memref<!tpu.dma_semaphore, #tpu.memory_space<semaphore_mem>>
      tpu.enqueue_dma source(%arg4 : memref<512xf32, #tpu.memory_space<hbm>>) target(%arg6 : memref<512xf32, #tpu.memory_space<vmem>>) target_semaphore(%run_scoped3A : memref<!tpu.dma_semaphore, #tpu.memory_space<semaphore_mem>>)
      tpu.wait_dma2 semaphore(%run_scoped3A : memref<!tpu.dma_semaphore, #tpu.memory_space<semaphore_mem>>) src(%arg4 : memref<512xf32, #tpu.memory_space<hbm>>) dst(%arg6 : memref<512xf32, #tpu.memory_space<vmem>>)
      tpu.yield
    }) : () -> ()
    "tpu.region"() ({
      %run_scoped3A = tpu.sem_alloc : memref<!tpu.dma_semaphore, #tpu.memory_space<semaphore_mem>>
      %dma_start3A = tpu.memref_slice %arg2[%mul3A_2] : memref<32768xf32, #tpu.memory_space<hbm>> -> memref<1024xf32, #tpu.memory_space<hbm>>
      %dma_start3A_972 = tpu.memref_slice %arg2[%mul3A_2] : memref<32768xf32, #tpu.memory_space<hbm>> -> memref<1024xf32, #tpu.memory_space<hbm>>
      tpu.enqueue_dma source(%dma_start3A_972 : memref<1024xf32, #tpu.memory_space<hbm>>) target(%arg8 : memref<1024xf32, #tpu.memory_space<vmem>>) target_semaphore(%run_scoped3A : memref<!tpu.dma_semaphore, #tpu.memory_space<semaphore_mem>>)
      %dma_wait3A = tpu.memref_slice %arg2[%mul3A_2] : memref<32768xf32, #tpu.memory_space<hbm>> -> memref<1024xf32, #tpu.memory_space<hbm>>
      %dma_wait3A_973 = tpu.memref_slice %arg2[%mul3A_2] : memref<32768xf32, #tpu.memory_space<hbm>> -> memref<1024xf32, #tpu.memory_space<hbm>>
      tpu.wait_dma2 semaphore(%run_scoped3A : memref<!tpu.dma_semaphore, #tpu.memory_space<semaphore_mem>>) src(%dma_wait3A_973 : memref<1024xf32, #tpu.memory_space<hbm>>) dst(%arg8 : memref<1024xf32, #tpu.memory_space<vmem>>)
      tpu.yield
    }) : () -> ()
    "tpu.region"() ({
      %run_scoped3A = tpu.sem_alloc : memref<!tpu.dma_semaphore, #tpu.memory_space<semaphore_mem>>
      %dma_start3A = tpu.memref_slice %arg3[%mul3A_2] : memref<32768xi32, #tpu.memory_space<hbm>> -> memref<1024xi32, #tpu.memory_space<hbm>>
      %dma_start3A_972 = tpu.memref_slice %arg3[%mul3A_2] : memref<32768xi32, #tpu.memory_space<hbm>> -> memref<1024xi32, #tpu.memory_space<hbm>>
      tpu.enqueue_dma source(%dma_start3A_972 : memref<1024xi32, #tpu.memory_space<hbm>>) target(%arg9 : memref<1024xi32, #tpu.memory_space<vmem>>) target_semaphore(%run_scoped3A : memref<!tpu.dma_semaphore, #tpu.memory_space<semaphore_mem>>)
      %dma_wait3A = tpu.memref_slice %arg3[%mul3A_2] : memref<32768xi32, #tpu.memory_space<hbm>> -> memref<1024xi32, #tpu.memory_space<hbm>>
      %dma_wait3A_973 = tpu.memref_slice %arg3[%mul3A_2] : memref<32768xi32, #tpu.memory_space<hbm>> -> memref<1024xi32, #tpu.memory_space<hbm>>
      tpu.wait_dma2 semaphore(%run_scoped3A : memref<!tpu.dma_semaphore, #tpu.memory_space<semaphore_mem>>) src(%dma_wait3A_973 : memref<1024xi32, #tpu.memory_space<hbm>>) dst(%arg9 : memref<1024xi32, #tpu.memory_space<vmem>>)
      tpu.yield
    }) : () -> ()
    %broadcast_in_dim3A = arith.constant 9.99999974E-5 : f32
    %broadcast_in_dim3A_3 = vector.broadcast %broadcast_in_dim3A : f32 to vector<16xf32>
    %get3A = arith.constant 0 : index
    %get3A_4 = tpu.vector_load %arg6[%get3A] {strides = array<i32>} : memref<512xf32, #tpu.memory_space<vmem>>, vector<16xf32>,
    %add3A_5 = arith.addf %broadcast_in_dim3A_3, %get3A_4 : vector<16xf32>
    %get3A_6 = arith.constant 64 : index
    %get3A_7 = tpu.vector_load %arg6[%get3A_6] {strides = array<i32>} : memref<512xf32, #tpu.memory_space<vmem>>, vector<16xf32>,
    %add3A_8 = arith.addf %add3A_5, %get3A_7 : vector<16xf32>
    %get3A_9 = arith.constant 128 : index
    %get3A_10 = tpu.vector_load %arg6[%get3A_9] {strides = array<i32>} : memref<512xf32, #tpu.memory_space<vmem>>, vector<16xf32>,
    %add3A_11 = arith.addf %add3A_8, %get3A_10 : vector<16xf32>
    %get3A_12 = arith.constant 192 : index
    %get3A_13 = tpu.vector_load %arg6[%get3A_12] {strides = array<i32>} : memref<512xf32, #tpu.memory_space<vmem>>, vector<16xf32>,
    %add3A_14 = arith.addf %add3A_11, %get3A_13 : vector<16xf32>
    %get3A_15 = arith.constant 256 : index
    %get3A_16 = tpu.vector_load %arg6[%get3A_15] {strides = array<i32>} : memref<512xf32, #tpu.memory_space<vmem>>, vector<16xf32>,
    %add3A_17 = arith.addf %add3A_14, %get3A_16 : vector<16xf32>
    %get3A_18 = arith.constant 320 : index
    %get3A_19 = tpu.vector_load %arg6[%get3A_18] {strides = array<i32>} : memref<512xf32, #tpu.memory_space<vmem>>, vector<16xf32>,
    %add3A_20 = arith.addf %add3A_17, %get3A_19 : vector<16xf32>
    %get3A_21 = arith.constant 384 : index
    %get3A_22 = tpu.vector_load %arg6[%get3A_21] {strides = array<i32>} : memref<512xf32, #tpu.memory_space<vmem>>, vector<16xf32>,
    %add3A_23 = arith.addf %add3A_20, %get3A_22 : vector<16xf32>
    %get3A_24 = arith.constant 448 : index
    %get3A_25 = tpu.vector_load %arg6[%get3A_24] {strides = array<i32>} : memref<512xf32, #tpu.memory_space<vmem>>, vector<16xf32>,
    %add3A_26 = arith.addf %add3A_23, %get3A_25 : vector<16xf32>
    %swap3A = arith.constant 0 : index
    %swap3A_27 = tpu.vector_load %arg7[%swap3A] {strides = array<i32>} : memref<128xf32, #tpu.memory_space<vmem>>, vector<16xf32>,
    tpu.vector_store %arg7[%swap3A], %add3A_26 {strides = array<i32>} : memref<128xf32, #tpu.memory_space<vmem>>, vector<16xf32>,
    %broadcast_in_dim3A_28 = arith.constant 9.99999974E-5 : f32
    %broadcast_in_dim3A_29 = vector.broadcast %broadcast_in_dim3A_28 : f32 to vector<16xf32>
    %get3A_30 = arith.constant 16 : index
    %get3A_31 = tpu.vector_load %arg6[%get3A_30] {strides = array<i32>} : memref<512xf32, #tpu.memory_space<vmem>>, vector<16xf32>,
    %add3A_32 = arith.addf %broadcast_in_dim3A_29, %get3A_31 : vector<16xf32>
    %get3A_33 = arith.constant 80 : index
    %get3A_34 = tpu.vector_load %arg6[%get3A_33] {strides = array<i32>} : memref<512xf32, #tpu.memory_space<vmem>>, vector<16xf32>,
    %add3A_35 = arith.addf %add3A_32, %get3A_34 : vector<16xf32>
    %get3A_36 = arith.constant 144 : index
    %get3A_37 = tpu.vector_load %arg6[%get3A_36] {strides = array<i32>} : memref<512xf32, #tpu.memory_space<vmem>>, vector<16xf32>,
    %add3A_38 = arith.addf %add3A_35, %get3A_37 : vector<16xf32>
    %get3A_39 = arith.constant 208 : index
    %get3A_40 = tpu.vector_load %arg6[%get3A_39] {strides = array<i32>} : memref<512xf32, #tpu.memory_space<vmem>>, vector<16xf32>,
    %add3A_41 = arith.addf %add3A_38, %get3A_40 : vector<16xf32>
    %get3A_42 = arith.constant 272 : index
    %get3A_43 = tpu.vector_load %arg6[%get3A_42] {strides = array<i32>} : memref<512xf32, #tpu.memory_space<vmem>>, vector<16xf32>,
    %add3A_44 = arith.addf %add3A_41, %get3A_43 : vector<16xf32>
    %get3A_45 = arith.constant 336 : index
    %get3A_46 = tpu.vector_load %arg6[%get3A_45] {strides = array<i32>} : memref<512xf32, #tpu.memory_space<vmem>>, vector<16xf32>,
    %add3A_47 = arith.addf %add3A_44, %get3A_46 : vector<16xf32>
    %get3A_48 = arith.constant 400 : index
    %get3A_49 = tpu.vector_load %arg6[%get3A_48] {strides = array<i32>} : memref<512xf32, #tpu.memory_space<vmem>>, vector<16xf32>,
    %add3A_50 = arith.addf %add3A_47, %get3A_49 : vector<16xf32>
    %get3A_51 = arith.constant 464 : index
    %get3A_52 = tpu.vector_load %arg6[%get3A_51] {strides = array<i32>} : memref<512xf32, #tpu.memory_space<vmem>>, vector<16xf32>,
    %add3A_53 = arith.addf %add3A_50, %get3A_52 : vector<16xf32>
    %swap3A_54 = arith.constant 16 : index
    %swap3A_55 = tpu.vector_load %arg7[%swap3A_54] {strides = array<i32>} : memref<128xf32, #tpu.memory_space<vmem>>, vector<16xf32>,
    tpu.vector_store %arg7[%swap3A_54], %add3A_53 {strides = array<i32>} : memref<128xf32, #tpu.memory_space<vmem>>, vector<16xf32>,
    %broadcast_in_dim3A_56 = arith.constant 9.99999974E-5 : f32
    %broadcast_in_dim3A_57 = vector.broadcast %broadcast_in_dim3A_56 : f32 to vector<16xf32>
    %get3A_58 = arith.constant 32 : index
    %get3A_59 = tpu.vector_load %arg6[%get3A_58] {strides = array<i32>} : memref<512xf32, #tpu.memory_space<vmem>>, vector<16xf32>,
    %add3A_60 = arith.addf %broadcast_in_dim3A_57, %get3A_59 : vector<16xf32>
    %get3A_61 = arith.constant 96 : index
    %get3A_62 = tpu.vector_load %arg6[%get3A_61] {strides = array<i32>} : memref<512xf32, #tpu.memory_space<vmem>>, vector<16xf32>,
    %add3A_63 = arith.addf %add3A_60, %get3A_62 : vector<16xf32>
    %get3A_64 = arith.constant 160 : index
    %get3A_65 = tpu.vector_load %arg6[%get3A_64] {strides = array<i32>} : memref<512xf32, #tpu.memory_space<vmem>>, vector<16xf32>,
    %add3A_66 = arith.addf %add3A_63, %get3A_65 : vector<16xf32>
    %get3A_67 = arith.constant 224 : index
    %get3A_68 = tpu.vector_load %arg6[%get3A_67] {strides = array<i32>} : memref<512xf32, #tpu.memory_space<vmem>>, vector<16xf32>,
    %add3A_69 = arith.addf %add3A_66, %get3A_68 : vector<16xf32>
    %get3A_70 = arith.constant 288 : index
    %get3A_71 = tpu.vector_load %arg6[%get3A_70] {strides = array<i32>} : memref<512xf32, #tpu.memory_space<vmem>>, vector<16xf32>,
    %add3A_72 = arith.addf %add3A_69, %get3A_71 : vector<16xf32>
    %get3A_73 = arith.constant 352 : index
    %get3A_74 = tpu.vector_load %arg6[%get3A_73] {strides = array<i32>} : memref<512xf32, #tpu.memory_space<vmem>>, vector<16xf32>,
    %add3A_75 = arith.addf %add3A_72, %get3A_74 : vector<16xf32>
    %get3A_76 = arith.constant 416 : index
    %get3A_77 = tpu.vector_load %arg6[%get3A_76] {strides = array<i32>} : memref<512xf32, #tpu.memory_space<vmem>>, vector<16xf32>,
    %add3A_78 = arith.addf %add3A_75, %get3A_77 : vector<16xf32>
    %get3A_79 = arith.constant 480 : index
    %get3A_80 = tpu.vector_load %arg6[%get3A_79] {strides = array<i32>} : memref<512xf32, #tpu.memory_space<vmem>>, vector<16xf32>,
    %add3A_81 = arith.addf %add3A_78, %get3A_80 : vector<16xf32>
    %swap3A_82 = arith.constant 32 : index
    %swap3A_83 = tpu.vector_load %arg7[%swap3A_82] {strides = array<i32>} : memref<128xf32, #tpu.memory_space<vmem>>, vector<16xf32>,
    tpu.vector_store %arg7[%swap3A_82], %add3A_81 {strides = array<i32>} : memref<128xf32, #tpu.memory_space<vmem>>, vector<16xf32>,
    %broadcast_in_dim3A_84 = arith.constant 9.99999974E-5 : f32
    %broadcast_in_dim3A_85 = vector.broadcast %broadcast_in_dim3A_84 : f32 to vector<16xf32>
    %get3A_86 = arith.constant 48 : index
    %get3A_87 = tpu.vector_load %arg6[%get3A_86] {strides = array<i32>} : memref<512xf32, #tpu.memory_space<vmem>>, vector<16xf32>,
    %add3A_88 = arith.addf %broadcast_in_dim3A_85, %get3A_87 : vector<16xf32>
    %get3A_89 = arith.constant 112 : index
    %get3A_90 = tpu.vector_load %arg6[%get3A_89] {strides = array<i32>} : memref<512xf32, #tpu.memory_space<vmem>>, vector<16xf32>,
    %add3A_91 = arith.addf %add3A_88, %get3A_90 : vector<16xf32>
    %get3A_92 = arith.constant 176 : index
    %get3A_93 = tpu.vector_load %arg6[%get3A_92] {strides = array<i32>} : memref<512xf32, #tpu.memory_space<vmem>>, vector<16xf32>,
    %add3A_94 = arith.addf %add3A_91, %get3A_93 : vector<16xf32>
    %get3A_95 = arith.constant 240 : index
    %get3A_96 = tpu.vector_load %arg6[%get3A_95] {strides = array<i32>} : memref<512xf32, #tpu.memory_space<vmem>>, vector<16xf32>,
    %add3A_97 = arith.addf %add3A_94, %get3A_96 : vector<16xf32>
    %get3A_98 = arith.constant 304 : index
    %get3A_99 = tpu.vector_load %arg6[%get3A_98] {strides = array<i32>} : memref<512xf32, #tpu.memory_space<vmem>>, vector<16xf32>,
    %add3A_100 = arith.addf %add3A_97, %get3A_99 : vector<16xf32>
    %get3A_101 = arith.constant 368 : index
    %get3A_102 = tpu.vector_load %arg6[%get3A_101] {strides = array<i32>} : memref<512xf32, #tpu.memory_space<vmem>>, vector<16xf32>,
    %add3A_103 = arith.addf %add3A_100, %get3A_102 : vector<16xf32>
    %get3A_104 = arith.constant 432 : index
    %get3A_105 = tpu.vector_load %arg6[%get3A_104] {strides = array<i32>} : memref<512xf32, #tpu.memory_space<vmem>>, vector<16xf32>,
    %add3A_106 = arith.addf %add3A_103, %get3A_105 : vector<16xf32>
    %get3A_107 = arith.constant 496 : index
    %get3A_108 = tpu.vector_load %arg6[%get3A_107] {strides = array<i32>} : memref<512xf32, #tpu.memory_space<vmem>>, vector<16xf32>,
    %add3A_109 = arith.addf %add3A_106, %get3A_108 : vector<16xf32>
    %swap3A_110 = arith.constant 48 : index
    %swap3A_111 = tpu.vector_load %arg7[%swap3A_110] {strides = array<i32>} : memref<128xf32, #tpu.memory_space<vmem>>, vector<16xf32>,
    tpu.vector_store %arg7[%swap3A_110], %add3A_109 {strides = array<i32>} : memref<128xf32, #tpu.memory_space<vmem>>, vector<16xf32>,
    %scan3A = arith.constant 0 : i32
    %scan3A_112 = arith.constant 0 : i32
    %scan3A_113 = arith.constant 256 : i32
    %scan3A_114 = arith.addi %scan3A_112, %scan3A_113 : i32
    %scan3A_115 = arith.constant 1 : i32
    scf.for %scan3A_972 = %scan3A_112 to %scan3A_114 step %scan3A_115  : i32 {
      %broadcast_in_dim3A_973 = arith.constant 0.000000e+00 : f32
      %broadcast_in_dim3A_974 = vector.broadcast %broadcast_in_dim3A_973 : f32 to vector<16xf32>
      %swap3A_975 = arith.index_cast %scan3A_972 : i32 to index
      %swap3A_976 = arith.constant 0 : index
      %swap3A_977 = tpu.vector_load %arg10[%swap3A_975, %swap3A_976] {strides = array<i32>} : memref<256x64xf32, #tpu.memory_space<vmem>>, vector<16xf32>,
      tpu.vector_store %arg10[%swap3A_975, %swap3A_976], %broadcast_in_dim3A_974 {strides = array<i32>} : memref<256x64xf32, #tpu.memory_space<vmem>>, vector<16xf32>,
      %broadcast_in_dim3A_978 = arith.constant 0.000000e+00 : f32
      %broadcast_in_dim3A_979 = vector.broadcast %broadcast_in_dim3A_978 : f32 to vector<16xf32>
      %swap3A_980 = arith.index_cast %scan3A_972 : i32 to index
      %swap3A_981 = arith.constant 16 : index
      %swap3A_982 = tpu.vector_load %arg10[%swap3A_980, %swap3A_981] {strides = array<i32>} : memref<256x64xf32, #tpu.memory_space<vmem>>, vector<16xf32>,
      tpu.vector_store %arg10[%swap3A_980, %swap3A_981], %broadcast_in_dim3A_979 {strides = array<i32>} : memref<256x64xf32, #tpu.memory_space<vmem>>, vector<16xf32>,
      %broadcast_in_dim3A_983 = arith.constant 0.000000e+00 : f32
      %broadcast_in_dim3A_984 = vector.broadcast %broadcast_in_dim3A_983 : f32 to vector<16xf32>
      %swap3A_985 = arith.index_cast %scan3A_972 : i32 to index
      %swap3A_986 = arith.constant 32 : index
      %swap3A_987 = tpu.vector_load %arg10[%swap3A_985, %swap3A_986] {strides = array<i32>} : memref<256x64xf32, #tpu.memory_space<vmem>>, vector<16xf32>,
      tpu.vector_store %arg10[%swap3A_985, %swap3A_986], %broadcast_in_dim3A_984 {strides = array<i32>} : memref<256x64xf32, #tpu.memory_space<vmem>>, vector<16xf32>,
      %broadcast_in_dim3A_988 = arith.constant 0.000000e+00 : f32
      %broadcast_in_dim3A_989 = vector.broadcast %broadcast_in_dim3A_988 : f32 to vector<16xf32>
      %swap3A_990 = arith.index_cast %scan3A_972 : i32 to index
      %swap3A_991 = arith.constant 48 : index
      %swap3A_992 = tpu.vector_load %arg10[%swap3A_990, %swap3A_991] {strides = array<i32>} : memref<256x64xf32, #tpu.memory_space<vmem>>, vector<16xf32>,
      tpu.vector_store %arg10[%swap3A_990, %swap3A_991], %broadcast_in_dim3A_989 {strides = array<i32>} : memref<256x64xf32, #tpu.memory_space<vmem>>, vector<16xf32>,
    }
    %scan3A_116 = arith.constant 256 : i32
    %get3A_117 = arith.constant 0 : index
    %get3A_118 = tpu.vector_load %arg9[%get3A_117] {strides = array<i32>} : memref<1024xi32, #tpu.memory_space<vmem>>, vector<16xi32>,
    %get3A_119 = arith.constant 0 : index
    %get3A_120 = tpu.vector_load %arg8[%get3A_119] {strides = array<i32>} : memref<1024xf32, #tpu.memory_space<vmem>>, vector<16xf32>,
    %gather3A = tpu.vector_load_idx %arg7[%get3A_118] : memref<128xf32, #tpu.memory_space<vmem>>[vector<16xi32>], vector<16xf32>,
    %div3A = arith.divf %get3A_120, %gather3A : vector<16xf32>
    %mul3A_121 = arith.constant 3.276800e+04 : f32
    %mul3A_122 = vector.broadcast %mul3A_121 : f32 to vector<16xf32>
    %mul3A_123 = arith.mulf %div3A, %mul3A_122 : vector<16xf32>
    %iota3A = tpu.iota {dimensions = array<i32: 0>} : vector<16xi32>
    %add3A_124 = arith.constant 0 : i32
    %add3A_125 = vector.broadcast %add3A_124 : i32 to vector<16xi32>
    %add3A_126 = arith.addi %iota3A, %add3A_125 : vector<16xi32>
    tpu.vector_store_idx %arg10[%add3A_126, %get3A_118], %mul3A_123 : memref<256x64xf32, #tpu.memory_space<vmem>>[vector<16xi32>, vector<16xi32>], vector<16xf32>,
    %get3A_127 = arith.constant 16 : index
    %get3A_128 = tpu.vector_load %arg9[%get3A_127] {strides = array<i32>} : memref<1024xi32, #tpu.memory_space<vmem>>, vector<16xi32>,
    %get3A_129 = arith.constant 16 : index
    %get3A_130 = tpu.vector_load %arg8[%get3A_129] {strides = array<i32>} : memref<1024xf32, #tpu.memory_space<vmem>>, vector<16xf32>,
    %gather3A_131 = tpu.vector_load_idx %arg7[%get3A_128] : memref<128xf32, #tpu.memory_space<vmem>>[vector<16xi32>], vector<16xf32>,
    %div3A_132 = arith.divf %get3A_130, %gather3A_131 : vector<16xf32>
    %mul3A_133 = arith.constant 3.276800e+04 : f32
    %mul3A_134 = vector.broadcast %mul3A_133 : f32 to vector<16xf32>
    %mul3A_135 = arith.mulf %div3A_132, %mul3A_134 : vector<16xf32>
    %iota3A_136 = tpu.iota {dimensions = array<i32: 0>} : vector<16xi32>
    %add3A_137 = arith.constant 16 : i32
    %add3A_138 = vector.broadcast %add3A_137 : i32 to vector<16xi32>
    %add3A_139 = arith.addi %iota3A_136, %add3A_138 : vector<16xi32>
    tpu.vector_store_idx %arg10[%add3A_139, %get3A_128], %mul3A_135 : memref<256x64xf32, #tpu.memory_space<vmem>>[vector<16xi32>, vector<16xi32>], vector<16xf32>,
    %get3A_140 = arith.constant 32 : index
    %get3A_141 = tpu.vector_load %arg9[%get3A_140] {strides = array<i32>} : memref<1024xi32, #tpu.memory_space<vmem>>, vector<16xi32>,
    %get3A_142 = arith.constant 32 : index
    %get3A_143 = tpu.vector_load %arg8[%get3A_142] {strides = array<i32>} : memref<1024xf32, #tpu.memory_space<vmem>>, vector<16xf32>,
    %gather3A_144 = tpu.vector_load_idx %arg7[%get3A_141] : memref<128xf32, #tpu.memory_space<vmem>>[vector<16xi32>], vector<16xf32>,
    %div3A_145 = arith.divf %get3A_143, %gather3A_144 : vector<16xf32>
    %mul3A_146 = arith.constant 3.276800e+04 : f32
    %mul3A_147 = vector.broadcast %mul3A_146 : f32 to vector<16xf32>
    %mul3A_148 = arith.mulf %div3A_145, %mul3A_147 : vector<16xf32>
    %iota3A_149 = tpu.iota {dimensions = array<i32: 0>} : vector<16xi32>
    %add3A_150 = arith.constant 32 : i32
    %add3A_151 = vector.broadcast %add3A_150 : i32 to vector<16xi32>
    %add3A_152 = arith.addi %iota3A_149, %add3A_151 : vector<16xi32>
    tpu.vector_store_idx %arg10[%add3A_152, %get3A_141], %mul3A_148 : memref<256x64xf32, #tpu.memory_space<vmem>>[vector<16xi32>, vector<16xi32>], vector<16xf32>,
    %get3A_153 = arith.constant 48 : index
    %get3A_154 = tpu.vector_load %arg9[%get3A_153] {strides = array<i32>} : memref<1024xi32, #tpu.memory_space<vmem>>, vector<16xi32>,
    %get3A_155 = arith.constant 48 : index
    %get3A_156 = tpu.vector_load %arg8[%get3A_155] {strides = array<i32>} : memref<1024xf32, #tpu.memory_space<vmem>>, vector<16xf32>,
    %gather3A_157 = tpu.vector_load_idx %arg7[%get3A_154] : memref<128xf32, #tpu.memory_space<vmem>>[vector<16xi32>], vector<16xf32>,
    %div3A_158 = arith.divf %get3A_156, %gather3A_157 : vector<16xf32>
    %mul3A_159 = arith.constant 3.276800e+04 : f32
    %mul3A_160 = vector.broadcast %mul3A_159 : f32 to vector<16xf32>
    %mul3A_161 = arith.mulf %div3A_158, %mul3A_160 : vector<16xf32>
    %iota3A_162 = tpu.iota {dimensions = array<i32: 0>} : vector<16xi32>
    %add3A_163 = arith.constant 48 : i32
    %add3A_164 = vector.broadcast %add3A_163 : i32 to vector<16xi32>
    %add3A_165 = arith.addi %iota3A_162, %add3A_164 : vector<16xi32>
    tpu.vector_store_idx %arg10[%add3A_165, %get3A_154], %mul3A_161 : memref<256x64xf32, #tpu.memory_space<vmem>>[vector<16xi32>, vector<16xi32>], vector<16xf32>,
    %get3A_166 = arith.constant 64 : index
    %get3A_167 = tpu.vector_load %arg9[%get3A_166] {strides = array<i32>} : memref<1024xi32, #tpu.memory_space<vmem>>, vector<16xi32>,
    %get3A_168 = arith.constant 64 : index
    %get3A_169 = tpu.vector_load %arg8[%get3A_168] {strides = array<i32>} : memref<1024xf32, #tpu.memory_space<vmem>>, vector<16xf32>,
    %gather3A_170 = tpu.vector_load_idx %arg7[%get3A_167] : memref<128xf32, #tpu.memory_space<vmem>>[vector<16xi32>], vector<16xf32>,
    %div3A_171 = arith.divf %get3A_169, %gather3A_170 : vector<16xf32>
    %mul3A_172 = arith.constant 3.276800e+04 : f32
    %mul3A_173 = vector.broadcast %mul3A_172 : f32 to vector<16xf32>
    %mul3A_174 = arith.mulf %div3A_171, %mul3A_173 : vector<16xf32>
    %iota3A_175 = tpu.iota {dimensions = array<i32: 0>} : vector<16xi32>
    %add3A_176 = arith.constant 64 : i32
    %add3A_177 = vector.broadcast %add3A_176 : i32 to vector<16xi32>
    %add3A_178 = arith.addi %iota3A_175, %add3A_177 : vector<16xi32>
    tpu.vector_store_idx %arg10[%add3A_178, %get3A_167], %mul3A_174 : memref<256x64xf32, #tpu.memory_space<vmem>>[vector<16xi32>, vector<16xi32>], vector<16xf32>,
    %get3A_179 = arith.constant 80 : index
    %get3A_180 = tpu.vector_load %arg9[%get3A_179] {strides = array<i32>} : memref<1024xi32, #tpu.memory_space<vmem>>, vector<16xi32>,
    %get3A_181 = arith.constant 80 : index
    %get3A_182 = tpu.vector_load %arg8[%get3A_181] {strides = array<i32>} : memref<1024xf32, #tpu.memory_space<vmem>>, vector<16xf32>,
    %gather3A_183 = tpu.vector_load_idx %arg7[%get3A_180] : memref<128xf32, #tpu.memory_space<vmem>>[vector<16xi32>], vector<16xf32>,
    %div3A_184 = arith.divf %get3A_182, %gather3A_183 : vector<16xf32>
    %mul3A_185 = arith.constant 3.276800e+04 : f32
    %mul3A_186 = vector.broadcast %mul3A_185 : f32 to vector<16xf32>
    %mul3A_187 = arith.mulf %div3A_184, %mul3A_186 : vector<16xf32>
    %iota3A_188 = tpu.iota {dimensions = array<i32: 0>} : vector<16xi32>
    %add3A_189 = arith.constant 80 : i32
    %add3A_190 = vector.broadcast %add3A_189 : i32 to vector<16xi32>
    %add3A_191 = arith.addi %iota3A_188, %add3A_190 : vector<16xi32>
    tpu.vector_store_idx %arg10[%add3A_191, %get3A_180], %mul3A_187 : memref<256x64xf32, #tpu.memory_space<vmem>>[vector<16xi32>, vector<16xi32>], vector<16xf32>,
    %get3A_192 = arith.constant 96 : index
    %get3A_193 = tpu.vector_load %arg9[%get3A_192] {strides = array<i32>} : memref<1024xi32, #tpu.memory_space<vmem>>, vector<16xi32>,
    %get3A_194 = arith.constant 96 : index
    %get3A_195 = tpu.vector_load %arg8[%get3A_194] {strides = array<i32>} : memref<1024xf32, #tpu.memory_space<vmem>>, vector<16xf32>,
    %gather3A_196 = tpu.vector_load_idx %arg7[%get3A_193] : memref<128xf32, #tpu.memory_space<vmem>>[vector<16xi32>], vector<16xf32>,
    %div3A_197 = arith.divf %get3A_195, %gather3A_196 : vector<16xf32>
    %mul3A_198 = arith.constant 3.276800e+04 : f32
    %mul3A_199 = vector.broadcast %mul3A_198 : f32 to vector<16xf32>
    %mul3A_200 = arith.mulf %div3A_197, %mul3A_199 : vector<16xf32>
    %iota3A_201 = tpu.iota {dimensions = array<i32: 0>} : vector<16xi32>
    %add3A_202 = arith.constant 96 : i32
    %add3A_203 = vector.broadcast %add3A_202 : i32 to vector<16xi32>
    %add3A_204 = arith.addi %iota3A_201, %add3A_203 : vector<16xi32>
    tpu.vector_store_idx %arg10[%add3A_204, %get3A_193], %mul3A_200 : memref<256x64xf32, #tpu.memory_space<vmem>>[vector<16xi32>, vector<16xi32>], vector<16xf32>,
    %get3A_205 = arith.constant 112 : index
    %get3A_206 = tpu.vector_load %arg9[%get3A_205] {strides = array<i32>} : memref<1024xi32, #tpu.memory_space<vmem>>, vector<16xi32>,
    %get3A_207 = arith.constant 112 : index
    %get3A_208 = tpu.vector_load %arg8[%get3A_207] {strides = array<i32>} : memref<1024xf32, #tpu.memory_space<vmem>>, vector<16xf32>,
    %gather3A_209 = tpu.vector_load_idx %arg7[%get3A_206] : memref<128xf32, #tpu.memory_space<vmem>>[vector<16xi32>], vector<16xf32>,
    %div3A_210 = arith.divf %get3A_208, %gather3A_209 : vector<16xf32>
    %mul3A_211 = arith.constant 3.276800e+04 : f32
    %mul3A_212 = vector.broadcast %mul3A_211 : f32 to vector<16xf32>
    %mul3A_213 = arith.mulf %div3A_210, %mul3A_212 : vector<16xf32>
    %iota3A_214 = tpu.iota {dimensions = array<i32: 0>} : vector<16xi32>
    %add3A_215 = arith.constant 112 : i32
    %add3A_216 = vector.broadcast %add3A_215 : i32 to vector<16xi32>
    %add3A_217 = arith.addi %iota3A_214, %add3A_216 : vector<16xi32>
    tpu.vector_store_idx %arg10[%add3A_217, %get3A_206], %mul3A_213 : memref<256x64xf32, #tpu.memory_space<vmem>>[vector<16xi32>, vector<16xi32>], vector<16xf32>,
    %get3A_218 = arith.constant 128 : index
    %get3A_219 = tpu.vector_load %arg9[%get3A_218] {strides = array<i32>} : memref<1024xi32, #tpu.memory_space<vmem>>, vector<16xi32>,
    %get3A_220 = arith.constant 128 : index
    %get3A_221 = tpu.vector_load %arg8[%get3A_220] {strides = array<i32>} : memref<1024xf32, #tpu.memory_space<vmem>>, vector<16xf32>,
    %gather3A_222 = tpu.vector_load_idx %arg7[%get3A_219] : memref<128xf32, #tpu.memory_space<vmem>>[vector<16xi32>], vector<16xf32>,
    %div3A_223 = arith.divf %get3A_221, %gather3A_222 : vector<16xf32>
    %mul3A_224 = arith.constant 3.276800e+04 : f32
    %mul3A_225 = vector.broadcast %mul3A_224 : f32 to vector<16xf32>
    %mul3A_226 = arith.mulf %div3A_223, %mul3A_225 : vector<16xf32>
    %iota3A_227 = tpu.iota {dimensions = array<i32: 0>} : vector<16xi32>
    %add3A_228 = arith.constant 128 : i32
    %add3A_229 = vector.broadcast %add3A_228 : i32 to vector<16xi32>
    %add3A_230 = arith.addi %iota3A_227, %add3A_229 : vector<16xi32>
    tpu.vector_store_idx %arg10[%add3A_230, %get3A_219], %mul3A_226 : memref<256x64xf32, #tpu.memory_space<vmem>>[vector<16xi32>, vector<16xi32>], vector<16xf32>,
    %get3A_231 = arith.constant 144 : index
    %get3A_232 = tpu.vector_load %arg9[%get3A_231] {strides = array<i32>} : memref<1024xi32, #tpu.memory_space<vmem>>, vector<16xi32>,
    %get3A_233 = arith.constant 144 : index
    %get3A_234 = tpu.vector_load %arg8[%get3A_233] {strides = array<i32>} : memref<1024xf32, #tpu.memory_space<vmem>>, vector<16xf32>,
    %gather3A_235 = tpu.vector_load_idx %arg7[%get3A_232] : memref<128xf32, #tpu.memory_space<vmem>>[vector<16xi32>], vector<16xf32>,
    %div3A_236 = arith.divf %get3A_234, %gather3A_235 : vector<16xf32>
    %mul3A_237 = arith.constant 3.276800e+04 : f32
    %mul3A_238 = vector.broadcast %mul3A_237 : f32 to vector<16xf32>
    %mul3A_239 = arith.mulf %div3A_236, %mul3A_238 : vector<16xf32>
    %iota3A_240 = tpu.iota {dimensions = array<i32: 0>} : vector<16xi32>
    %add3A_241 = arith.constant 144 : i32
    %add3A_242 = vector.broadcast %add3A_241 : i32 to vector<16xi32>
    %add3A_243 = arith.addi %iota3A_240, %add3A_242 : vector<16xi32>
    tpu.vector_store_idx %arg10[%add3A_243, %get3A_232], %mul3A_239 : memref<256x64xf32, #tpu.memory_space<vmem>>[vector<16xi32>, vector<16xi32>], vector<16xf32>,
    %get3A_244 = arith.constant 160 : index
    %get3A_245 = tpu.vector_load %arg9[%get3A_244] {strides = array<i32>} : memref<1024xi32, #tpu.memory_space<vmem>>, vector<16xi32>,
    %get3A_246 = arith.constant 160 : index
    %get3A_247 = tpu.vector_load %arg8[%get3A_246] {strides = array<i32>} : memref<1024xf32, #tpu.memory_space<vmem>>, vector<16xf32>,
    %gather3A_248 = tpu.vector_load_idx %arg7[%get3A_245] : memref<128xf32, #tpu.memory_space<vmem>>[vector<16xi32>], vector<16xf32>,
    %div3A_249 = arith.divf %get3A_247, %gather3A_248 : vector<16xf32>
    %mul3A_250 = arith.constant 3.276800e+04 : f32
    %mul3A_251 = vector.broadcast %mul3A_250 : f32 to vector<16xf32>
    %mul3A_252 = arith.mulf %div3A_249, %mul3A_251 : vector<16xf32>
    %iota3A_253 = tpu.iota {dimensions = array<i32: 0>} : vector<16xi32>
    %add3A_254 = arith.constant 160 : i32
    %add3A_255 = vector.broadcast %add3A_254 : i32 to vector<16xi32>
    %add3A_256 = arith.addi %iota3A_253, %add3A_255 : vector<16xi32>
    tpu.vector_store_idx %arg10[%add3A_256, %get3A_245], %mul3A_252 : memref<256x64xf32, #tpu.memory_space<vmem>>[vector<16xi32>, vector<16xi32>], vector<16xf32>,
    %get3A_257 = arith.constant 176 : index
    %get3A_258 = tpu.vector_load %arg9[%get3A_257] {strides = array<i32>} : memref<1024xi32, #tpu.memory_space<vmem>>, vector<16xi32>,
    %get3A_259 = arith.constant 176 : index
    %get3A_260 = tpu.vector_load %arg8[%get3A_259] {strides = array<i32>} : memref<1024xf32, #tpu.memory_space<vmem>>, vector<16xf32>,
    %gather3A_261 = tpu.vector_load_idx %arg7[%get3A_258] : memref<128xf32, #tpu.memory_space<vmem>>[vector<16xi32>], vector<16xf32>,
    %div3A_262 = arith.divf %get3A_260, %gather3A_261 : vector<16xf32>
    %mul3A_263 = arith.constant 3.276800e+04 : f32
    %mul3A_264 = vector.broadcast %mul3A_263 : f32 to vector<16xf32>
    %mul3A_265 = arith.mulf %div3A_262, %mul3A_264 : vector<16xf32>
    %iota3A_266 = tpu.iota {dimensions = array<i32: 0>} : vector<16xi32>
    %add3A_267 = arith.constant 176 : i32
    %add3A_268 = vector.broadcast %add3A_267 : i32 to vector<16xi32>
    %add3A_269 = arith.addi %iota3A_266, %add3A_268 : vector<16xi32>
    tpu.vector_store_idx %arg10[%add3A_269, %get3A_258], %mul3A_265 : memref<256x64xf32, #tpu.memory_space<vmem>>[vector<16xi32>, vector<16xi32>], vector<16xf32>,
    %get3A_270 = arith.constant 192 : index
    %get3A_271 = tpu.vector_load %arg9[%get3A_270] {strides = array<i32>} : memref<1024xi32, #tpu.memory_space<vmem>>, vector<16xi32>,
    %get3A_272 = arith.constant 192 : index
    %get3A_273 = tpu.vector_load %arg8[%get3A_272] {strides = array<i32>} : memref<1024xf32, #tpu.memory_space<vmem>>, vector<16xf32>,
    %gather3A_274 = tpu.vector_load_idx %arg7[%get3A_271] : memref<128xf32, #tpu.memory_space<vmem>>[vector<16xi32>], vector<16xf32>,
    %div3A_275 = arith.divf %get3A_273, %gather3A_274 : vector<16xf32>
    %mul3A_276 = arith.constant 3.276800e+04 : f32
    %mul3A_277 = vector.broadcast %mul3A_276 : f32 to vector<16xf32>
    %mul3A_278 = arith.mulf %div3A_275, %mul3A_277 : vector<16xf32>
    %iota3A_279 = tpu.iota {dimensions = array<i32: 0>} : vector<16xi32>
    %add3A_280 = arith.constant 192 : i32
    %add3A_281 = vector.broadcast %add3A_280 : i32 to vector<16xi32>
    %add3A_282 = arith.addi %iota3A_279, %add3A_281 : vector<16xi32>
    tpu.vector_store_idx %arg10[%add3A_282, %get3A_271], %mul3A_278 : memref<256x64xf32, #tpu.memory_space<vmem>>[vector<16xi32>, vector<16xi32>], vector<16xf32>,
    %get3A_283 = arith.constant 208 : index
    %get3A_284 = tpu.vector_load %arg9[%get3A_283] {strides = array<i32>} : memref<1024xi32, #tpu.memory_space<vmem>>, vector<16xi32>,
    %get3A_285 = arith.constant 208 : index
    %get3A_286 = tpu.vector_load %arg8[%get3A_285] {strides = array<i32>} : memref<1024xf32, #tpu.memory_space<vmem>>, vector<16xf32>,
    %gather3A_287 = tpu.vector_load_idx %arg7[%get3A_284] : memref<128xf32, #tpu.memory_space<vmem>>[vector<16xi32>], vector<16xf32>,
    %div3A_288 = arith.divf %get3A_286, %gather3A_287 : vector<16xf32>
    %mul3A_289 = arith.constant 3.276800e+04 : f32
    %mul3A_290 = vector.broadcast %mul3A_289 : f32 to vector<16xf32>
    %mul3A_291 = arith.mulf %div3A_288, %mul3A_290 : vector<16xf32>
    %iota3A_292 = tpu.iota {dimensions = array<i32: 0>} : vector<16xi32>
    %add3A_293 = arith.constant 208 : i32
    %add3A_294 = vector.broadcast %add3A_293 : i32 to vector<16xi32>
    %add3A_295 = arith.addi %iota3A_292, %add3A_294 : vector<16xi32>
    tpu.vector_store_idx %arg10[%add3A_295, %get3A_284], %mul3A_291 : memref<256x64xf32, #tpu.memory_space<vmem>>[vector<16xi32>, vector<16xi32>], vector<16xf32>,
    %get3A_296 = arith.constant 224 : index
    %get3A_297 = tpu.vector_load %arg9[%get3A_296] {strides = array<i32>} : memref<1024xi32, #tpu.memory_space<vmem>>, vector<16xi32>,
    %get3A_298 = arith.constant 224 : index
    %get3A_299 = tpu.vector_load %arg8[%get3A_298] {strides = array<i32>} : memref<1024xf32, #tpu.memory_space<vmem>>, vector<16xf32>,
    %gather3A_300 = tpu.vector_load_idx %arg7[%get3A_297] : memref<128xf32, #tpu.memory_space<vmem>>[vector<16xi32>], vector<16xf32>,
    %div3A_301 = arith.divf %get3A_299, %gather3A_300 : vector<16xf32>
    %mul3A_302 = arith.constant 3.276800e+04 : f32
    %mul3A_303 = vector.broadcast %mul3A_302 : f32 to vector<16xf32>
    %mul3A_304 = arith.mulf %div3A_301, %mul3A_303 : vector<16xf32>
    %iota3A_305 = tpu.iota {dimensions = array<i32: 0>} : vector<16xi32>
    %add3A_306 = arith.constant 224 : i32
    %add3A_307 = vector.broadcast %add3A_306 : i32 to vector<16xi32>
    %add3A_308 = arith.addi %iota3A_305, %add3A_307 : vector<16xi32>
    tpu.vector_store_idx %arg10[%add3A_308, %get3A_297], %mul3A_304 : memref<256x64xf32, #tpu.memory_space<vmem>>[vector<16xi32>, vector<16xi32>], vector<16xf32>,
    %get3A_309 = arith.constant 240 : index
    %get3A_310 = tpu.vector_load %arg9[%get3A_309] {strides = array<i32>} : memref<1024xi32, #tpu.memory_space<vmem>>, vector<16xi32>,
    %get3A_311 = arith.constant 240 : index
    %get3A_312 = tpu.vector_load %arg8[%get3A_311] {strides = array<i32>} : memref<1024xf32, #tpu.memory_space<vmem>>, vector<16xf32>,
    %gather3A_313 = tpu.vector_load_idx %arg7[%get3A_310] : memref<128xf32, #tpu.memory_space<vmem>>[vector<16xi32>], vector<16xf32>,
    %div3A_314 = arith.divf %get3A_312, %gather3A_313 : vector<16xf32>
    %mul3A_315 = arith.constant 3.276800e+04 : f32
    %mul3A_316 = vector.broadcast %mul3A_315 : f32 to vector<16xf32>
    %mul3A_317 = arith.mulf %div3A_314, %mul3A_316 : vector<16xf32>
    %iota3A_318 = tpu.iota {dimensions = array<i32: 0>} : vector<16xi32>
    %add3A_319 = arith.constant 240 : i32
    %add3A_320 = vector.broadcast %add3A_319 : i32 to vector<16xi32>
    %add3A_321 = arith.addi %iota3A_318, %add3A_320 : vector<16xi32>
    tpu.vector_store_idx %arg10[%add3A_321, %get3A_310], %mul3A_317 : memref<256x64xf32, #tpu.memory_space<vmem>>[vector<16xi32>, vector<16xi32>], vector<16xf32>,
    %add3A_322 = arith.constant 0 : i32
    %add3A_323 = arith.addi %mul3A_2, %add3A_322 : i32
    "tpu.region"() ({
      %run_scoped3A = tpu.sem_alloc : memref<!tpu.dma_semaphore, #tpu.memory_space<semaphore_mem>>
      %dma_start3A = arith.constant 0 : i32
      %dma_start3A_972 = tpu.memref_slice %arg5[%add3A_323, %dma_start3A] : memref<32768x64xf32, #tpu.memory_space<hbm>> -> memref<256x64xf32, #tpu.memory_space<hbm>>
      %dma_start3A_973 = arith.constant 0 : i32
      %dma_start3A_974 = tpu.memref_slice %arg5[%add3A_323, %dma_start3A_973] : memref<32768x64xf32, #tpu.memory_space<hbm>> -> memref<256x64xf32, #tpu.memory_space<hbm>>
      tpu.enqueue_dma source(%arg10 : memref<256x64xf32, #tpu.memory_space<vmem>>) target(%dma_start3A_974 : memref<256x64xf32, #tpu.memory_space<hbm>>) target_semaphore(%run_scoped3A : memref<!tpu.dma_semaphore, #tpu.memory_space<semaphore_mem>>)
      %dma_wait3A = arith.constant 0 : i32
      %dma_wait3A_975 = tpu.memref_slice %arg5[%add3A_323, %dma_wait3A] : memref<32768x64xf32, #tpu.memory_space<hbm>> -> memref<256x64xf32, #tpu.memory_space<hbm>>
      %dma_wait3A_976 = arith.constant 0 : i32
      %dma_wait3A_977 = tpu.memref_slice %arg5[%add3A_323, %dma_wait3A_976] : memref<32768x64xf32, #tpu.memory_space<hbm>> -> memref<256x64xf32, #tpu.memory_space<hbm>>
      tpu.wait_dma2 semaphore(%run_scoped3A : memref<!tpu.dma_semaphore, #tpu.memory_space<semaphore_mem>>) src(%arg10 : memref<256x64xf32, #tpu.memory_space<vmem>>) dst(%dma_wait3A_977 : memref<256x64xf32, #tpu.memory_space<hbm>>)
      tpu.yield
    }) : () -> ()
    %scan3A_324 = arith.constant 0 : i32
    %scan3A_325 = arith.constant 0 : i32
    %scan3A_326 = arith.constant 256 : i32
    %scan3A_327 = arith.addi %scan3A_325, %scan3A_326 : i32
    %scan3A_328 = arith.constant 1 : i32
    scf.for %scan3A_972 = %scan3A_325 to %scan3A_327 step %scan3A_328  : i32 {
      %broadcast_in_dim3A_973 = arith.constant 0.000000e+00 : f32
      %broadcast_in_dim3A_974 = vector.broadcast %broadcast_in_dim3A_973 : f32 to vector<16xf32>
      %swap3A_975 = arith.index_cast %scan3A_972 : i32 to index
      %swap3A_976 = arith.constant 0 : index
      %swap3A_977 = tpu.vector_load %arg10[%swap3A_975, %swap3A_976] {strides = array<i32>} : memref<256x64xf32, #tpu.memory_space<vmem>>, vector<16xf32>,
      tpu.vector_store %arg10[%swap3A_975, %swap3A_976], %broadcast_in_dim3A_974 {strides = array<i32>} : memref<256x64xf32, #tpu.memory_space<vmem>>, vector<16xf32>,
      %broadcast_in_dim3A_978 = arith.constant 0.000000e+00 : f32
      %broadcast_in_dim3A_979 = vector.broadcast %broadcast_in_dim3A_978 : f32 to vector<16xf32>
      %swap3A_980 = arith.index_cast %scan3A_972 : i32 to index
      %swap3A_981 = arith.constant 16 : index
      %swap3A_982 = tpu.vector_load %arg10[%swap3A_980, %swap3A_981] {strides = array<i32>} : memref<256x64xf32, #tpu.memory_space<vmem>>, vector<16xf32>,
      tpu.vector_store %arg10[%swap3A_980, %swap3A_981], %broadcast_in_dim3A_979 {strides = array<i32>} : memref<256x64xf32, #tpu.memory_space<vmem>>, vector<16xf32>,
      %broadcast_in_dim3A_983 = arith.constant 0.000000e+00 : f32
      %broadcast_in_dim3A_984 = vector.broadcast %broadcast_in_dim3A_983 : f32 to vector<16xf32>
      %swap3A_985 = arith.index_cast %scan3A_972 : i32 to index
      %swap3A_986 = arith.constant 32 : index
      %swap3A_987 = tpu.vector_load %arg10[%swap3A_985, %swap3A_986] {strides = array<i32>} : memref<256x64xf32, #tpu.memory_space<vmem>>, vector<16xf32>,
      tpu.vector_store %arg10[%swap3A_985, %swap3A_986], %broadcast_in_dim3A_984 {strides = array<i32>} : memref<256x64xf32, #tpu.memory_space<vmem>>, vector<16xf32>,
      %broadcast_in_dim3A_988 = arith.constant 0.000000e+00 : f32
      %broadcast_in_dim3A_989 = vector.broadcast %broadcast_in_dim3A_988 : f32 to vector<16xf32>
      %swap3A_990 = arith.index_cast %scan3A_972 : i32 to index
      %swap3A_991 = arith.constant 48 : index
      %swap3A_992 = tpu.vector_load %arg10[%swap3A_990, %swap3A_991] {strides = array<i32>} : memref<256x64xf32, #tpu.memory_space<vmem>>, vector<16xf32>,
      tpu.vector_store %arg10[%swap3A_990, %swap3A_991], %broadcast_in_dim3A_989 {strides = array<i32>} : memref<256x64xf32, #tpu.memory_space<vmem>>, vector<16xf32>,
    }
    %scan3A_329 = arith.constant 256 : i32
    %get3A_330 = arith.constant 256 : index
    %get3A_331 = tpu.vector_load %arg9[%get3A_330] {strides = array<i32>} : memref<1024xi32, #tpu.memory_space<vmem>>, vector<16xi32>,
    %get3A_332 = arith.constant 256 : index
    %get3A_333 = tpu.vector_load %arg8[%get3A_332] {strides = array<i32>} : memref<1024xf32, #tpu.memory_space<vmem>>, vector<16xf32>,
    %gather3A_334 = tpu.vector_load_idx %arg7[%get3A_331] : memref<128xf32, #tpu.memory_space<vmem>>[vector<16xi32>], vector<16xf32>,
    %div3A_335 = arith.divf %get3A_333, %gather3A_334 : vector<16xf32>
    %mul3A_336 = arith.constant 3.276800e+04 : f32
    %mul3A_337 = vector.broadcast %mul3A_336 : f32 to vector<16xf32>
    %mul3A_338 = arith.mulf %div3A_335, %mul3A_337 : vector<16xf32>
    %iota3A_339 = tpu.iota {dimensions = array<i32: 0>} : vector<16xi32>
    %add3A_340 = arith.constant 0 : i32
    %add3A_341 = vector.broadcast %add3A_340 : i32 to vector<16xi32>
    %add3A_342 = arith.addi %iota3A_339, %add3A_341 : vector<16xi32>
    tpu.vector_store_idx %arg10[%add3A_342, %get3A_331], %mul3A_338 : memref<256x64xf32, #tpu.memory_space<vmem>>[vector<16xi32>, vector<16xi32>], vector<16xf32>,
    %get3A_343 = arith.constant 272 : index
    %get3A_344 = tpu.vector_load %arg9[%get3A_343] {strides = array<i32>} : memref<1024xi32, #tpu.memory_space<vmem>>, vector<16xi32>,
    %get3A_345 = arith.constant 272 : index
    %get3A_346 = tpu.vector_load %arg8[%get3A_345] {strides = array<i32>} : memref<1024xf32, #tpu.memory_space<vmem>>, vector<16xf32>,
    %gather3A_347 = tpu.vector_load_idx %arg7[%get3A_344] : memref<128xf32, #tpu.memory_space<vmem>>[vector<16xi32>], vector<16xf32>,
    %div3A_348 = arith.divf %get3A_346, %gather3A_347 : vector<16xf32>
    %mul3A_349 = arith.constant 3.276800e+04 : f32
    %mul3A_350 = vector.broadcast %mul3A_349 : f32 to vector<16xf32>
    %mul3A_351 = arith.mulf %div3A_348, %mul3A_350 : vector<16xf32>
    %iota3A_352 = tpu.iota {dimensions = array<i32: 0>} : vector<16xi32>
    %add3A_353 = arith.constant 16 : i32
    %add3A_354 = vector.broadcast %add3A_353 : i32 to vector<16xi32>
    %add3A_355 = arith.addi %iota3A_352, %add3A_354 : vector<16xi32>
    tpu.vector_store_idx %arg10[%add3A_355, %get3A_344], %mul3A_351 : memref<256x64xf32, #tpu.memory_space<vmem>>[vector<16xi32>, vector<16xi32>], vector<16xf32>,
    %get3A_356 = arith.constant 288 : index
    %get3A_357 = tpu.vector_load %arg9[%get3A_356] {strides = array<i32>} : memref<1024xi32, #tpu.memory_space<vmem>>, vector<16xi32>,
    %get3A_358 = arith.constant 288 : index
    %get3A_359 = tpu.vector_load %arg8[%get3A_358] {strides = array<i32>} : memref<1024xf32, #tpu.memory_space<vmem>>, vector<16xf32>,
    %gather3A_360 = tpu.vector_load_idx %arg7[%get3A_357] : memref<128xf32, #tpu.memory_space<vmem>>[vector<16xi32>], vector<16xf32>,
    %div3A_361 = arith.divf %get3A_359, %gather3A_360 : vector<16xf32>
    %mul3A_362 = arith.constant 3.276800e+04 : f32
    %mul3A_363 = vector.broadcast %mul3A_362 : f32 to vector<16xf32>
    %mul3A_364 = arith.mulf %div3A_361, %mul3A_363 : vector<16xf32>
    %iota3A_365 = tpu.iota {dimensions = array<i32: 0>} : vector<16xi32>
    %add3A_366 = arith.constant 32 : i32
    %add3A_367 = vector.broadcast %add3A_366 : i32 to vector<16xi32>
    %add3A_368 = arith.addi %iota3A_365, %add3A_367 : vector<16xi32>
    tpu.vector_store_idx %arg10[%add3A_368, %get3A_357], %mul3A_364 : memref<256x64xf32, #tpu.memory_space<vmem>>[vector<16xi32>, vector<16xi32>], vector<16xf32>,
    %get3A_369 = arith.constant 304 : index
    %get3A_370 = tpu.vector_load %arg9[%get3A_369] {strides = array<i32>} : memref<1024xi32, #tpu.memory_space<vmem>>, vector<16xi32>,
    %get3A_371 = arith.constant 304 : index
    %get3A_372 = tpu.vector_load %arg8[%get3A_371] {strides = array<i32>} : memref<1024xf32, #tpu.memory_space<vmem>>, vector<16xf32>,
    %gather3A_373 = tpu.vector_load_idx %arg7[%get3A_370] : memref<128xf32, #tpu.memory_space<vmem>>[vector<16xi32>], vector<16xf32>,
    %div3A_374 = arith.divf %get3A_372, %gather3A_373 : vector<16xf32>
    %mul3A_375 = arith.constant 3.276800e+04 : f32
    %mul3A_376 = vector.broadcast %mul3A_375 : f32 to vector<16xf32>
    %mul3A_377 = arith.mulf %div3A_374, %mul3A_376 : vector<16xf32>
    %iota3A_378 = tpu.iota {dimensions = array<i32: 0>} : vector<16xi32>
    %add3A_379 = arith.constant 48 : i32
    %add3A_380 = vector.broadcast %add3A_379 : i32 to vector<16xi32>
    %add3A_381 = arith.addi %iota3A_378, %add3A_380 : vector<16xi32>
    tpu.vector_store_idx %arg10[%add3A_381, %get3A_370], %mul3A_377 : memref<256x64xf32, #tpu.memory_space<vmem>>[vector<16xi32>, vector<16xi32>], vector<16xf32>,
    %get3A_382 = arith.constant 320 : index
    %get3A_383 = tpu.vector_load %arg9[%get3A_382] {strides = array<i32>} : memref<1024xi32, #tpu.memory_space<vmem>>, vector<16xi32>,
    %get3A_384 = arith.constant 320 : index
    %get3A_385 = tpu.vector_load %arg8[%get3A_384] {strides = array<i32>} : memref<1024xf32, #tpu.memory_space<vmem>>, vector<16xf32>,
    %gather3A_386 = tpu.vector_load_idx %arg7[%get3A_383] : memref<128xf32, #tpu.memory_space<vmem>>[vector<16xi32>], vector<16xf32>,
    %div3A_387 = arith.divf %get3A_385, %gather3A_386 : vector<16xf32>
    %mul3A_388 = arith.constant 3.276800e+04 : f32
    %mul3A_389 = vector.broadcast %mul3A_388 : f32 to vector<16xf32>
    %mul3A_390 = arith.mulf %div3A_387, %mul3A_389 : vector<16xf32>
    %iota3A_391 = tpu.iota {dimensions = array<i32: 0>} : vector<16xi32>
    %add3A_392 = arith.constant 64 : i32
    %add3A_393 = vector.broadcast %add3A_392 : i32 to vector<16xi32>
    %add3A_394 = arith.addi %iota3A_391, %add3A_393 : vector<16xi32>
    tpu.vector_store_idx %arg10[%add3A_394, %get3A_383], %mul3A_390 : memref<256x64xf32, #tpu.memory_space<vmem>>[vector<16xi32>, vector<16xi32>], vector<16xf32>,
    %get3A_395 = arith.constant 336 : index
    %get3A_396 = tpu.vector_load %arg9[%get3A_395] {strides = array<i32>} : memref<1024xi32, #tpu.memory_space<vmem>>, vector<16xi32>,
    %get3A_397 = arith.constant 336 : index
    %get3A_398 = tpu.vector_load %arg8[%get3A_397] {strides = array<i32>} : memref<1024xf32, #tpu.memory_space<vmem>>, vector<16xf32>,
    %gather3A_399 = tpu.vector_load_idx %arg7[%get3A_396] : memref<128xf32, #tpu.memory_space<vmem>>[vector<16xi32>], vector<16xf32>,
    %div3A_400 = arith.divf %get3A_398, %gather3A_399 : vector<16xf32>
    %mul3A_401 = arith.constant 3.276800e+04 : f32
    %mul3A_402 = vector.broadcast %mul3A_401 : f32 to vector<16xf32>
    %mul3A_403 = arith.mulf %div3A_400, %mul3A_402 : vector<16xf32>
    %iota3A_404 = tpu.iota {dimensions = array<i32: 0>} : vector<16xi32>
    %add3A_405 = arith.constant 80 : i32
    %add3A_406 = vector.broadcast %add3A_405 : i32 to vector<16xi32>
    %add3A_407 = arith.addi %iota3A_404, %add3A_406 : vector<16xi32>
    tpu.vector_store_idx %arg10[%add3A_407, %get3A_396], %mul3A_403 : memref<256x64xf32, #tpu.memory_space<vmem>>[vector<16xi32>, vector<16xi32>], vector<16xf32>,
    %get3A_408 = arith.constant 352 : index
    %get3A_409 = tpu.vector_load %arg9[%get3A_408] {strides = array<i32>} : memref<1024xi32, #tpu.memory_space<vmem>>, vector<16xi32>,
    %get3A_410 = arith.constant 352 : index
    %get3A_411 = tpu.vector_load %arg8[%get3A_410] {strides = array<i32>} : memref<1024xf32, #tpu.memory_space<vmem>>, vector<16xf32>,
    %gather3A_412 = tpu.vector_load_idx %arg7[%get3A_409] : memref<128xf32, #tpu.memory_space<vmem>>[vector<16xi32>], vector<16xf32>,
    %div3A_413 = arith.divf %get3A_411, %gather3A_412 : vector<16xf32>
    %mul3A_414 = arith.constant 3.276800e+04 : f32
    %mul3A_415 = vector.broadcast %mul3A_414 : f32 to vector<16xf32>
    %mul3A_416 = arith.mulf %div3A_413, %mul3A_415 : vector<16xf32>
    %iota3A_417 = tpu.iota {dimensions = array<i32: 0>} : vector<16xi32>
    %add3A_418 = arith.constant 96 : i32
    %add3A_419 = vector.broadcast %add3A_418 : i32 to vector<16xi32>
    %add3A_420 = arith.addi %iota3A_417, %add3A_419 : vector<16xi32>
    tpu.vector_store_idx %arg10[%add3A_420, %get3A_409], %mul3A_416 : memref<256x64xf32, #tpu.memory_space<vmem>>[vector<16xi32>, vector<16xi32>], vector<16xf32>,
    %get3A_421 = arith.constant 368 : index
    %get3A_422 = tpu.vector_load %arg9[%get3A_421] {strides = array<i32>} : memref<1024xi32, #tpu.memory_space<vmem>>, vector<16xi32>,
    %get3A_423 = arith.constant 368 : index
    %get3A_424 = tpu.vector_load %arg8[%get3A_423] {strides = array<i32>} : memref<1024xf32, #tpu.memory_space<vmem>>, vector<16xf32>,
    %gather3A_425 = tpu.vector_load_idx %arg7[%get3A_422] : memref<128xf32, #tpu.memory_space<vmem>>[vector<16xi32>], vector<16xf32>,
    %div3A_426 = arith.divf %get3A_424, %gather3A_425 : vector<16xf32>
    %mul3A_427 = arith.constant 3.276800e+04 : f32
    %mul3A_428 = vector.broadcast %mul3A_427 : f32 to vector<16xf32>
    %mul3A_429 = arith.mulf %div3A_426, %mul3A_428 : vector<16xf32>
    %iota3A_430 = tpu.iota {dimensions = array<i32: 0>} : vector<16xi32>
    %add3A_431 = arith.constant 112 : i32
    %add3A_432 = vector.broadcast %add3A_431 : i32 to vector<16xi32>
    %add3A_433 = arith.addi %iota3A_430, %add3A_432 : vector<16xi32>
    tpu.vector_store_idx %arg10[%add3A_433, %get3A_422], %mul3A_429 : memref<256x64xf32, #tpu.memory_space<vmem>>[vector<16xi32>, vector<16xi32>], vector<16xf32>,
    %get3A_434 = arith.constant 384 : index
    %get3A_435 = tpu.vector_load %arg9[%get3A_434] {strides = array<i32>} : memref<1024xi32, #tpu.memory_space<vmem>>, vector<16xi32>,
    %get3A_436 = arith.constant 384 : index
    %get3A_437 = tpu.vector_load %arg8[%get3A_436] {strides = array<i32>} : memref<1024xf32, #tpu.memory_space<vmem>>, vector<16xf32>,
    %gather3A_438 = tpu.vector_load_idx %arg7[%get3A_435] : memref<128xf32, #tpu.memory_space<vmem>>[vector<16xi32>], vector<16xf32>,
    %div3A_439 = arith.divf %get3A_437, %gather3A_438 : vector<16xf32>
    %mul3A_440 = arith.constant 3.276800e+04 : f32
    %mul3A_441 = vector.broadcast %mul3A_440 : f32 to vector<16xf32>
    %mul3A_442 = arith.mulf %div3A_439, %mul3A_441 : vector<16xf32>
    %iota3A_443 = tpu.iota {dimensions = array<i32: 0>} : vector<16xi32>
    %add3A_444 = arith.constant 128 : i32
    %add3A_445 = vector.broadcast %add3A_444 : i32 to vector<16xi32>
    %add3A_446 = arith.addi %iota3A_443, %add3A_445 : vector<16xi32>
    tpu.vector_store_idx %arg10[%add3A_446, %get3A_435], %mul3A_442 : memref<256x64xf32, #tpu.memory_space<vmem>>[vector<16xi32>, vector<16xi32>], vector<16xf32>,
    %get3A_447 = arith.constant 400 : index
    %get3A_448 = tpu.vector_load %arg9[%get3A_447] {strides = array<i32>} : memref<1024xi32, #tpu.memory_space<vmem>>, vector<16xi32>,
    %get3A_449 = arith.constant 400 : index
    %get3A_450 = tpu.vector_load %arg8[%get3A_449] {strides = array<i32>} : memref<1024xf32, #tpu.memory_space<vmem>>, vector<16xf32>,
    %gather3A_451 = tpu.vector_load_idx %arg7[%get3A_448] : memref<128xf32, #tpu.memory_space<vmem>>[vector<16xi32>], vector<16xf32>,
    %div3A_452 = arith.divf %get3A_450, %gather3A_451 : vector<16xf32>
    %mul3A_453 = arith.constant 3.276800e+04 : f32
    %mul3A_454 = vector.broadcast %mul3A_453 : f32 to vector<16xf32>
    %mul3A_455 = arith.mulf %div3A_452, %mul3A_454 : vector<16xf32>
    %iota3A_456 = tpu.iota {dimensions = array<i32: 0>} : vector<16xi32>
    %add3A_457 = arith.constant 144 : i32
    %add3A_458 = vector.broadcast %add3A_457 : i32 to vector<16xi32>
    %add3A_459 = arith.addi %iota3A_456, %add3A_458 : vector<16xi32>
    tpu.vector_store_idx %arg10[%add3A_459, %get3A_448], %mul3A_455 : memref<256x64xf32, #tpu.memory_space<vmem>>[vector<16xi32>, vector<16xi32>], vector<16xf32>,
    %get3A_460 = arith.constant 416 : index
    %get3A_461 = tpu.vector_load %arg9[%get3A_460] {strides = array<i32>} : memref<1024xi32, #tpu.memory_space<vmem>>, vector<16xi32>,
    %get3A_462 = arith.constant 416 : index
    %get3A_463 = tpu.vector_load %arg8[%get3A_462] {strides = array<i32>} : memref<1024xf32, #tpu.memory_space<vmem>>, vector<16xf32>,
    %gather3A_464 = tpu.vector_load_idx %arg7[%get3A_461] : memref<128xf32, #tpu.memory_space<vmem>>[vector<16xi32>], vector<16xf32>,
    %div3A_465 = arith.divf %get3A_463, %gather3A_464 : vector<16xf32>
    %mul3A_466 = arith.constant 3.276800e+04 : f32
    %mul3A_467 = vector.broadcast %mul3A_466 : f32 to vector<16xf32>
    %mul3A_468 = arith.mulf %div3A_465, %mul3A_467 : vector<16xf32>
    %iota3A_469 = tpu.iota {dimensions = array<i32: 0>} : vector<16xi32>
    %add3A_470 = arith.constant 160 : i32
    %add3A_471 = vector.broadcast %add3A_470 : i32 to vector<16xi32>
    %add3A_472 = arith.addi %iota3A_469, %add3A_471 : vector<16xi32>
    tpu.vector_store_idx %arg10[%add3A_472, %get3A_461], %mul3A_468 : memref<256x64xf32, #tpu.memory_space<vmem>>[vector<16xi32>, vector<16xi32>], vector<16xf32>,
    %get3A_473 = arith.constant 432 : index
    %get3A_474 = tpu.vector_load %arg9[%get3A_473] {strides = array<i32>} : memref<1024xi32, #tpu.memory_space<vmem>>, vector<16xi32>,
    %get3A_475 = arith.constant 432 : index
    %get3A_476 = tpu.vector_load %arg8[%get3A_475] {strides = array<i32>} : memref<1024xf32, #tpu.memory_space<vmem>>, vector<16xf32>,
    %gather3A_477 = tpu.vector_load_idx %arg7[%get3A_474] : memref<128xf32, #tpu.memory_space<vmem>>[vector<16xi32>], vector<16xf32>,
    %div3A_478 = arith.divf %get3A_476, %gather3A_477 : vector<16xf32>
    %mul3A_479 = arith.constant 3.276800e+04 : f32
    %mul3A_480 = vector.broadcast %mul3A_479 : f32 to vector<16xf32>
    %mul3A_481 = arith.mulf %div3A_478, %mul3A_480 : vector<16xf32>
    %iota3A_482 = tpu.iota {dimensions = array<i32: 0>} : vector<16xi32>
    %add3A_483 = arith.constant 176 : i32
    %add3A_484 = vector.broadcast %add3A_483 : i32 to vector<16xi32>
    %add3A_485 = arith.addi %iota3A_482, %add3A_484 : vector<16xi32>
    tpu.vector_store_idx %arg10[%add3A_485, %get3A_474], %mul3A_481 : memref<256x64xf32, #tpu.memory_space<vmem>>[vector<16xi32>, vector<16xi32>], vector<16xf32>,
    %get3A_486 = arith.constant 448 : index
    %get3A_487 = tpu.vector_load %arg9[%get3A_486] {strides = array<i32>} : memref<1024xi32, #tpu.memory_space<vmem>>, vector<16xi32>,
    %get3A_488 = arith.constant 448 : index
    %get3A_489 = tpu.vector_load %arg8[%get3A_488] {strides = array<i32>} : memref<1024xf32, #tpu.memory_space<vmem>>, vector<16xf32>,
    %gather3A_490 = tpu.vector_load_idx %arg7[%get3A_487] : memref<128xf32, #tpu.memory_space<vmem>>[vector<16xi32>], vector<16xf32>,
    %div3A_491 = arith.divf %get3A_489, %gather3A_490 : vector<16xf32>
    %mul3A_492 = arith.constant 3.276800e+04 : f32
    %mul3A_493 = vector.broadcast %mul3A_492 : f32 to vector<16xf32>
    %mul3A_494 = arith.mulf %div3A_491, %mul3A_493 : vector<16xf32>
    %iota3A_495 = tpu.iota {dimensions = array<i32: 0>} : vector<16xi32>
    %add3A_496 = arith.constant 192 : i32
    %add3A_497 = vector.broadcast %add3A_496 : i32 to vector<16xi32>
    %add3A_498 = arith.addi %iota3A_495, %add3A_497 : vector<16xi32>
    tpu.vector_store_idx %arg10[%add3A_498, %get3A_487], %mul3A_494 : memref<256x64xf32, #tpu.memory_space<vmem>>[vector<16xi32>, vector<16xi32>], vector<16xf32>,
    %get3A_499 = arith.constant 464 : index
    %get3A_500 = tpu.vector_load %arg9[%get3A_499] {strides = array<i32>} : memref<1024xi32, #tpu.memory_space<vmem>>, vector<16xi32>,
    %get3A_501 = arith.constant 464 : index
    %get3A_502 = tpu.vector_load %arg8[%get3A_501] {strides = array<i32>} : memref<1024xf32, #tpu.memory_space<vmem>>, vector<16xf32>,
    %gather3A_503 = tpu.vector_load_idx %arg7[%get3A_500] : memref<128xf32, #tpu.memory_space<vmem>>[vector<16xi32>], vector<16xf32>,
    %div3A_504 = arith.divf %get3A_502, %gather3A_503 : vector<16xf32>
    %mul3A_505 = arith.constant 3.276800e+04 : f32
    %mul3A_506 = vector.broadcast %mul3A_505 : f32 to vector<16xf32>
    %mul3A_507 = arith.mulf %div3A_504, %mul3A_506 : vector<16xf32>
    %iota3A_508 = tpu.iota {dimensions = array<i32: 0>} : vector<16xi32>
    %add3A_509 = arith.constant 208 : i32
    %add3A_510 = vector.broadcast %add3A_509 : i32 to vector<16xi32>
    %add3A_511 = arith.addi %iota3A_508, %add3A_510 : vector<16xi32>
    tpu.vector_store_idx %arg10[%add3A_511, %get3A_500], %mul3A_507 : memref<256x64xf32, #tpu.memory_space<vmem>>[vector<16xi32>, vector<16xi32>], vector<16xf32>,
    %get3A_512 = arith.constant 480 : index
    %get3A_513 = tpu.vector_load %arg9[%get3A_512] {strides = array<i32>} : memref<1024xi32, #tpu.memory_space<vmem>>, vector<16xi32>,
    %get3A_514 = arith.constant 480 : index
    %get3A_515 = tpu.vector_load %arg8[%get3A_514] {strides = array<i32>} : memref<1024xf32, #tpu.memory_space<vmem>>, vector<16xf32>,
    %gather3A_516 = tpu.vector_load_idx %arg7[%get3A_513] : memref<128xf32, #tpu.memory_space<vmem>>[vector<16xi32>], vector<16xf32>,
    %div3A_517 = arith.divf %get3A_515, %gather3A_516 : vector<16xf32>
    %mul3A_518 = arith.constant 3.276800e+04 : f32
    %mul3A_519 = vector.broadcast %mul3A_518 : f32 to vector<16xf32>
    %mul3A_520 = arith.mulf %div3A_517, %mul3A_519 : vector<16xf32>
    %iota3A_521 = tpu.iota {dimensions = array<i32: 0>} : vector<16xi32>
    %add3A_522 = arith.constant 224 : i32
    %add3A_523 = vector.broadcast %add3A_522 : i32 to vector<16xi32>
    %add3A_524 = arith.addi %iota3A_521, %add3A_523 : vector<16xi32>
    tpu.vector_store_idx %arg10[%add3A_524, %get3A_513], %mul3A_520 : memref<256x64xf32, #tpu.memory_space<vmem>>[vector<16xi32>, vector<16xi32>], vector<16xf32>,
    %get3A_525 = arith.constant 496 : index
    %get3A_526 = tpu.vector_load %arg9[%get3A_525] {strides = array<i32>} : memref<1024xi32, #tpu.memory_space<vmem>>, vector<16xi32>,
    %get3A_527 = arith.constant 496 : index
    %get3A_528 = tpu.vector_load %arg8[%get3A_527] {strides = array<i32>} : memref<1024xf32, #tpu.memory_space<vmem>>, vector<16xf32>,
    %gather3A_529 = tpu.vector_load_idx %arg7[%get3A_526] : memref<128xf32, #tpu.memory_space<vmem>>[vector<16xi32>], vector<16xf32>,
    %div3A_530 = arith.divf %get3A_528, %gather3A_529 : vector<16xf32>
    %mul3A_531 = arith.constant 3.276800e+04 : f32
    %mul3A_532 = vector.broadcast %mul3A_531 : f32 to vector<16xf32>
    %mul3A_533 = arith.mulf %div3A_530, %mul3A_532 : vector<16xf32>
    %iota3A_534 = tpu.iota {dimensions = array<i32: 0>} : vector<16xi32>
    %add3A_535 = arith.constant 240 : i32
    %add3A_536 = vector.broadcast %add3A_535 : i32 to vector<16xi32>
    %add3A_537 = arith.addi %iota3A_534, %add3A_536 : vector<16xi32>
    tpu.vector_store_idx %arg10[%add3A_537, %get3A_526], %mul3A_533 : memref<256x64xf32, #tpu.memory_space<vmem>>[vector<16xi32>, vector<16xi32>], vector<16xf32>,
    %add3A_538 = arith.constant 256 : i32
    %add3A_539 = arith.addi %mul3A_2, %add3A_538 : i32
    "tpu.region"() ({
      %run_scoped3A = tpu.sem_alloc : memref<!tpu.dma_semaphore, #tpu.memory_space<semaphore_mem>>
      %dma_start3A = arith.constant 0 : i32
      %dma_start3A_972 = tpu.memref_slice %arg5[%add3A_539, %dma_start3A] : memref<32768x64xf32, #tpu.memory_space<hbm>> -> memref<256x64xf32, #tpu.memory_space<hbm>>
      %dma_start3A_973 = arith.constant 0 : i32
      %dma_start3A_974 = tpu.memref_slice %arg5[%add3A_539, %dma_start3A_973] : memref<32768x64xf32, #tpu.memory_space<hbm>> -> memref<256x64xf32, #tpu.memory_space<hbm>>
      tpu.enqueue_dma source(%arg10 : memref<256x64xf32, #tpu.memory_space<vmem>>) target(%dma_start3A_974 : memref<256x64xf32, #tpu.memory_space<hbm>>) target_semaphore(%run_scoped3A : memref<!tpu.dma_semaphore, #tpu.memory_space<semaphore_mem>>)
      %dma_wait3A = arith.constant 0 : i32
      %dma_wait3A_975 = tpu.memref_slice %arg5[%add3A_539, %dma_wait3A] : memref<32768x64xf32, #tpu.memory_space<hbm>> -> memref<256x64xf32, #tpu.memory_space<hbm>>
      %dma_wait3A_976 = arith.constant 0 : i32
      %dma_wait3A_977 = tpu.memref_slice %arg5[%add3A_539, %dma_wait3A_976] : memref<32768x64xf32, #tpu.memory_space<hbm>> -> memref<256x64xf32, #tpu.memory_space<hbm>>
      tpu.wait_dma2 semaphore(%run_scoped3A : memref<!tpu.dma_semaphore, #tpu.memory_space<semaphore_mem>>) src(%arg10 : memref<256x64xf32, #tpu.memory_space<vmem>>) dst(%dma_wait3A_977 : memref<256x64xf32, #tpu.memory_space<hbm>>)
      tpu.yield
    }) : () -> ()
    %scan3A_540 = arith.constant 0 : i32
    %scan3A_541 = arith.constant 0 : i32
    %scan3A_542 = arith.constant 256 : i32
    %scan3A_543 = arith.addi %scan3A_541, %scan3A_542 : i32
    %scan3A_544 = arith.constant 1 : i32
    scf.for %scan3A_972 = %scan3A_541 to %scan3A_543 step %scan3A_544  : i32 {
      %broadcast_in_dim3A_973 = arith.constant 0.000000e+00 : f32
      %broadcast_in_dim3A_974 = vector.broadcast %broadcast_in_dim3A_973 : f32 to vector<16xf32>
      %swap3A_975 = arith.index_cast %scan3A_972 : i32 to index
      %swap3A_976 = arith.constant 0 : index
      %swap3A_977 = tpu.vector_load %arg10[%swap3A_975, %swap3A_976] {strides = array<i32>} : memref<256x64xf32, #tpu.memory_space<vmem>>, vector<16xf32>,
      tpu.vector_store %arg10[%swap3A_975, %swap3A_976], %broadcast_in_dim3A_974 {strides = array<i32>} : memref<256x64xf32, #tpu.memory_space<vmem>>, vector<16xf32>,
      %broadcast_in_dim3A_978 = arith.constant 0.000000e+00 : f32
      %broadcast_in_dim3A_979 = vector.broadcast %broadcast_in_dim3A_978 : f32 to vector<16xf32>
      %swap3A_980 = arith.index_cast %scan3A_972 : i32 to index
      %swap3A_981 = arith.constant 16 : index
      %swap3A_982 = tpu.vector_load %arg10[%swap3A_980, %swap3A_981] {strides = array<i32>} : memref<256x64xf32, #tpu.memory_space<vmem>>, vector<16xf32>,
      tpu.vector_store %arg10[%swap3A_980, %swap3A_981], %broadcast_in_dim3A_979 {strides = array<i32>} : memref<256x64xf32, #tpu.memory_space<vmem>>, vector<16xf32>,
      %broadcast_in_dim3A_983 = arith.constant 0.000000e+00 : f32
      %broadcast_in_dim3A_984 = vector.broadcast %broadcast_in_dim3A_983 : f32 to vector<16xf32>
      %swap3A_985 = arith.index_cast %scan3A_972 : i32 to index
      %swap3A_986 = arith.constant 32 : index
      %swap3A_987 = tpu.vector_load %arg10[%swap3A_985, %swap3A_986] {strides = array<i32>} : memref<256x64xf32, #tpu.memory_space<vmem>>, vector<16xf32>,
      tpu.vector_store %arg10[%swap3A_985, %swap3A_986], %broadcast_in_dim3A_984 {strides = array<i32>} : memref<256x64xf32, #tpu.memory_space<vmem>>, vector<16xf32>,
      %broadcast_in_dim3A_988 = arith.constant 0.000000e+00 : f32
      %broadcast_in_dim3A_989 = vector.broadcast %broadcast_in_dim3A_988 : f32 to vector<16xf32>
      %swap3A_990 = arith.index_cast %scan3A_972 : i32 to index
      %swap3A_991 = arith.constant 48 : index
      %swap3A_992 = tpu.vector_load %arg10[%swap3A_990, %swap3A_991] {strides = array<i32>} : memref<256x64xf32, #tpu.memory_space<vmem>>, vector<16xf32>,
      tpu.vector_store %arg10[%swap3A_990, %swap3A_991], %broadcast_in_dim3A_989 {strides = array<i32>} : memref<256x64xf32, #tpu.memory_space<vmem>>, vector<16xf32>,
    }
    %scan3A_545 = arith.constant 256 : i32
    %get3A_546 = arith.constant 512 : index
    %get3A_547 = tpu.vector_load %arg9[%get3A_546] {strides = array<i32>} : memref<1024xi32, #tpu.memory_space<vmem>>, vector<16xi32>,
    %get3A_548 = arith.constant 512 : index
    %get3A_549 = tpu.vector_load %arg8[%get3A_548] {strides = array<i32>} : memref<1024xf32, #tpu.memory_space<vmem>>, vector<16xf32>,
    %gather3A_550 = tpu.vector_load_idx %arg7[%get3A_547] : memref<128xf32, #tpu.memory_space<vmem>>[vector<16xi32>], vector<16xf32>,
    %div3A_551 = arith.divf %get3A_549, %gather3A_550 : vector<16xf32>
    %mul3A_552 = arith.constant 3.276800e+04 : f32
    %mul3A_553 = vector.broadcast %mul3A_552 : f32 to vector<16xf32>
    %mul3A_554 = arith.mulf %div3A_551, %mul3A_553 : vector<16xf32>
    %iota3A_555 = tpu.iota {dimensions = array<i32: 0>} : vector<16xi32>
    %add3A_556 = arith.constant 0 : i32
    %add3A_557 = vector.broadcast %add3A_556 : i32 to vector<16xi32>
    %add3A_558 = arith.addi %iota3A_555, %add3A_557 : vector<16xi32>
    tpu.vector_store_idx %arg10[%add3A_558, %get3A_547], %mul3A_554 : memref<256x64xf32, #tpu.memory_space<vmem>>[vector<16xi32>, vector<16xi32>], vector<16xf32>,
    %get3A_559 = arith.constant 528 : index
    %get3A_560 = tpu.vector_load %arg9[%get3A_559] {strides = array<i32>} : memref<1024xi32, #tpu.memory_space<vmem>>, vector<16xi32>,
    %get3A_561 = arith.constant 528 : index
    %get3A_562 = tpu.vector_load %arg8[%get3A_561] {strides = array<i32>} : memref<1024xf32, #tpu.memory_space<vmem>>, vector<16xf32>,
    %gather3A_563 = tpu.vector_load_idx %arg7[%get3A_560] : memref<128xf32, #tpu.memory_space<vmem>>[vector<16xi32>], vector<16xf32>,
    %div3A_564 = arith.divf %get3A_562, %gather3A_563 : vector<16xf32>
    %mul3A_565 = arith.constant 3.276800e+04 : f32
    %mul3A_566 = vector.broadcast %mul3A_565 : f32 to vector<16xf32>
    %mul3A_567 = arith.mulf %div3A_564, %mul3A_566 : vector<16xf32>
    %iota3A_568 = tpu.iota {dimensions = array<i32: 0>} : vector<16xi32>
    %add3A_569 = arith.constant 16 : i32
    %add3A_570 = vector.broadcast %add3A_569 : i32 to vector<16xi32>
    %add3A_571 = arith.addi %iota3A_568, %add3A_570 : vector<16xi32>
    tpu.vector_store_idx %arg10[%add3A_571, %get3A_560], %mul3A_567 : memref<256x64xf32, #tpu.memory_space<vmem>>[vector<16xi32>, vector<16xi32>], vector<16xf32>,
    %get3A_572 = arith.constant 544 : index
    %get3A_573 = tpu.vector_load %arg9[%get3A_572] {strides = array<i32>} : memref<1024xi32, #tpu.memory_space<vmem>>, vector<16xi32>,
    %get3A_574 = arith.constant 544 : index
    %get3A_575 = tpu.vector_load %arg8[%get3A_574] {strides = array<i32>} : memref<1024xf32, #tpu.memory_space<vmem>>, vector<16xf32>,
    %gather3A_576 = tpu.vector_load_idx %arg7[%get3A_573] : memref<128xf32, #tpu.memory_space<vmem>>[vector<16xi32>], vector<16xf32>,
    %div3A_577 = arith.divf %get3A_575, %gather3A_576 : vector<16xf32>
    %mul3A_578 = arith.constant 3.276800e+04 : f32
    %mul3A_579 = vector.broadcast %mul3A_578 : f32 to vector<16xf32>
    %mul3A_580 = arith.mulf %div3A_577, %mul3A_579 : vector<16xf32>
    %iota3A_581 = tpu.iota {dimensions = array<i32: 0>} : vector<16xi32>
    %add3A_582 = arith.constant 32 : i32
    %add3A_583 = vector.broadcast %add3A_582 : i32 to vector<16xi32>
    %add3A_584 = arith.addi %iota3A_581, %add3A_583 : vector<16xi32>
    tpu.vector_store_idx %arg10[%add3A_584, %get3A_573], %mul3A_580 : memref<256x64xf32, #tpu.memory_space<vmem>>[vector<16xi32>, vector<16xi32>], vector<16xf32>,
    %get3A_585 = arith.constant 560 : index
    %get3A_586 = tpu.vector_load %arg9[%get3A_585] {strides = array<i32>} : memref<1024xi32, #tpu.memory_space<vmem>>, vector<16xi32>,
    %get3A_587 = arith.constant 560 : index
    %get3A_588 = tpu.vector_load %arg8[%get3A_587] {strides = array<i32>} : memref<1024xf32, #tpu.memory_space<vmem>>, vector<16xf32>,
    %gather3A_589 = tpu.vector_load_idx %arg7[%get3A_586] : memref<128xf32, #tpu.memory_space<vmem>>[vector<16xi32>], vector<16xf32>,
    %div3A_590 = arith.divf %get3A_588, %gather3A_589 : vector<16xf32>
    %mul3A_591 = arith.constant 3.276800e+04 : f32
    %mul3A_592 = vector.broadcast %mul3A_591 : f32 to vector<16xf32>
    %mul3A_593 = arith.mulf %div3A_590, %mul3A_592 : vector<16xf32>
    %iota3A_594 = tpu.iota {dimensions = array<i32: 0>} : vector<16xi32>
    %add3A_595 = arith.constant 48 : i32
    %add3A_596 = vector.broadcast %add3A_595 : i32 to vector<16xi32>
    %add3A_597 = arith.addi %iota3A_594, %add3A_596 : vector<16xi32>
    tpu.vector_store_idx %arg10[%add3A_597, %get3A_586], %mul3A_593 : memref<256x64xf32, #tpu.memory_space<vmem>>[vector<16xi32>, vector<16xi32>], vector<16xf32>,
    %get3A_598 = arith.constant 576 : index
    %get3A_599 = tpu.vector_load %arg9[%get3A_598] {strides = array<i32>} : memref<1024xi32, #tpu.memory_space<vmem>>, vector<16xi32>,
    %get3A_600 = arith.constant 576 : index
    %get3A_601 = tpu.vector_load %arg8[%get3A_600] {strides = array<i32>} : memref<1024xf32, #tpu.memory_space<vmem>>, vector<16xf32>,
    %gather3A_602 = tpu.vector_load_idx %arg7[%get3A_599] : memref<128xf32, #tpu.memory_space<vmem>>[vector<16xi32>], vector<16xf32>,
    %div3A_603 = arith.divf %get3A_601, %gather3A_602 : vector<16xf32>
    %mul3A_604 = arith.constant 3.276800e+04 : f32
    %mul3A_605 = vector.broadcast %mul3A_604 : f32 to vector<16xf32>
    %mul3A_606 = arith.mulf %div3A_603, %mul3A_605 : vector<16xf32>
    %iota3A_607 = tpu.iota {dimensions = array<i32: 0>} : vector<16xi32>
    %add3A_608 = arith.constant 64 : i32
    %add3A_609 = vector.broadcast %add3A_608 : i32 to vector<16xi32>
    %add3A_610 = arith.addi %iota3A_607, %add3A_609 : vector<16xi32>
    tpu.vector_store_idx %arg10[%add3A_610, %get3A_599], %mul3A_606 : memref<256x64xf32, #tpu.memory_space<vmem>>[vector<16xi32>, vector<16xi32>], vector<16xf32>,
    %get3A_611 = arith.constant 592 : index
    %get3A_612 = tpu.vector_load %arg9[%get3A_611] {strides = array<i32>} : memref<1024xi32, #tpu.memory_space<vmem>>, vector<16xi32>,
    %get3A_613 = arith.constant 592 : index
    %get3A_614 = tpu.vector_load %arg8[%get3A_613] {strides = array<i32>} : memref<1024xf32, #tpu.memory_space<vmem>>, vector<16xf32>,
    %gather3A_615 = tpu.vector_load_idx %arg7[%get3A_612] : memref<128xf32, #tpu.memory_space<vmem>>[vector<16xi32>], vector<16xf32>,
    %div3A_616 = arith.divf %get3A_614, %gather3A_615 : vector<16xf32>
    %mul3A_617 = arith.constant 3.276800e+04 : f32
    %mul3A_618 = vector.broadcast %mul3A_617 : f32 to vector<16xf32>
    %mul3A_619 = arith.mulf %div3A_616, %mul3A_618 : vector<16xf32>
    %iota3A_620 = tpu.iota {dimensions = array<i32: 0>} : vector<16xi32>
    %add3A_621 = arith.constant 80 : i32
    %add3A_622 = vector.broadcast %add3A_621 : i32 to vector<16xi32>
    %add3A_623 = arith.addi %iota3A_620, %add3A_622 : vector<16xi32>
    tpu.vector_store_idx %arg10[%add3A_623, %get3A_612], %mul3A_619 : memref<256x64xf32, #tpu.memory_space<vmem>>[vector<16xi32>, vector<16xi32>], vector<16xf32>,
    %get3A_624 = arith.constant 608 : index
    %get3A_625 = tpu.vector_load %arg9[%get3A_624] {strides = array<i32>} : memref<1024xi32, #tpu.memory_space<vmem>>, vector<16xi32>,
    %get3A_626 = arith.constant 608 : index
    %get3A_627 = tpu.vector_load %arg8[%get3A_626] {strides = array<i32>} : memref<1024xf32, #tpu.memory_space<vmem>>, vector<16xf32>,
    %gather3A_628 = tpu.vector_load_idx %arg7[%get3A_625] : memref<128xf32, #tpu.memory_space<vmem>>[vector<16xi32>], vector<16xf32>,
    %div3A_629 = arith.divf %get3A_627, %gather3A_628 : vector<16xf32>
    %mul3A_630 = arith.constant 3.276800e+04 : f32
    %mul3A_631 = vector.broadcast %mul3A_630 : f32 to vector<16xf32>
    %mul3A_632 = arith.mulf %div3A_629, %mul3A_631 : vector<16xf32>
    %iota3A_633 = tpu.iota {dimensions = array<i32: 0>} : vector<16xi32>
    %add3A_634 = arith.constant 96 : i32
    %add3A_635 = vector.broadcast %add3A_634 : i32 to vector<16xi32>
    %add3A_636 = arith.addi %iota3A_633, %add3A_635 : vector<16xi32>
    tpu.vector_store_idx %arg10[%add3A_636, %get3A_625], %mul3A_632 : memref<256x64xf32, #tpu.memory_space<vmem>>[vector<16xi32>, vector<16xi32>], vector<16xf32>,
    %get3A_637 = arith.constant 624 : index
    %get3A_638 = tpu.vector_load %arg9[%get3A_637] {strides = array<i32>} : memref<1024xi32, #tpu.memory_space<vmem>>, vector<16xi32>,
    %get3A_639 = arith.constant 624 : index
    %get3A_640 = tpu.vector_load %arg8[%get3A_639] {strides = array<i32>} : memref<1024xf32, #tpu.memory_space<vmem>>, vector<16xf32>,
    %gather3A_641 = tpu.vector_load_idx %arg7[%get3A_638] : memref<128xf32, #tpu.memory_space<vmem>>[vector<16xi32>], vector<16xf32>,
    %div3A_642 = arith.divf %get3A_640, %gather3A_641 : vector<16xf32>
    %mul3A_643 = arith.constant 3.276800e+04 : f32
    %mul3A_644 = vector.broadcast %mul3A_643 : f32 to vector<16xf32>
    %mul3A_645 = arith.mulf %div3A_642, %mul3A_644 : vector<16xf32>
    %iota3A_646 = tpu.iota {dimensions = array<i32: 0>} : vector<16xi32>
    %add3A_647 = arith.constant 112 : i32
    %add3A_648 = vector.broadcast %add3A_647 : i32 to vector<16xi32>
    %add3A_649 = arith.addi %iota3A_646, %add3A_648 : vector<16xi32>
    tpu.vector_store_idx %arg10[%add3A_649, %get3A_638], %mul3A_645 : memref<256x64xf32, #tpu.memory_space<vmem>>[vector<16xi32>, vector<16xi32>], vector<16xf32>,
    %get3A_650 = arith.constant 640 : index
    %get3A_651 = tpu.vector_load %arg9[%get3A_650] {strides = array<i32>} : memref<1024xi32, #tpu.memory_space<vmem>>, vector<16xi32>,
    %get3A_652 = arith.constant 640 : index
    %get3A_653 = tpu.vector_load %arg8[%get3A_652] {strides = array<i32>} : memref<1024xf32, #tpu.memory_space<vmem>>, vector<16xf32>,
    %gather3A_654 = tpu.vector_load_idx %arg7[%get3A_651] : memref<128xf32, #tpu.memory_space<vmem>>[vector<16xi32>], vector<16xf32>,
    %div3A_655 = arith.divf %get3A_653, %gather3A_654 : vector<16xf32>
    %mul3A_656 = arith.constant 3.276800e+04 : f32
    %mul3A_657 = vector.broadcast %mul3A_656 : f32 to vector<16xf32>
    %mul3A_658 = arith.mulf %div3A_655, %mul3A_657 : vector<16xf32>
    %iota3A_659 = tpu.iota {dimensions = array<i32: 0>} : vector<16xi32>
    %add3A_660 = arith.constant 128 : i32
    %add3A_661 = vector.broadcast %add3A_660 : i32 to vector<16xi32>
    %add3A_662 = arith.addi %iota3A_659, %add3A_661 : vector<16xi32>
    tpu.vector_store_idx %arg10[%add3A_662, %get3A_651], %mul3A_658 : memref<256x64xf32, #tpu.memory_space<vmem>>[vector<16xi32>, vector<16xi32>], vector<16xf32>,
    %get3A_663 = arith.constant 656 : index
    %get3A_664 = tpu.vector_load %arg9[%get3A_663] {strides = array<i32>} : memref<1024xi32, #tpu.memory_space<vmem>>, vector<16xi32>,
    %get3A_665 = arith.constant 656 : index
    %get3A_666 = tpu.vector_load %arg8[%get3A_665] {strides = array<i32>} : memref<1024xf32, #tpu.memory_space<vmem>>, vector<16xf32>,
    %gather3A_667 = tpu.vector_load_idx %arg7[%get3A_664] : memref<128xf32, #tpu.memory_space<vmem>>[vector<16xi32>], vector<16xf32>,
    %div3A_668 = arith.divf %get3A_666, %gather3A_667 : vector<16xf32>
    %mul3A_669 = arith.constant 3.276800e+04 : f32
    %mul3A_670 = vector.broadcast %mul3A_669 : f32 to vector<16xf32>
    %mul3A_671 = arith.mulf %div3A_668, %mul3A_670 : vector<16xf32>
    %iota3A_672 = tpu.iota {dimensions = array<i32: 0>} : vector<16xi32>
    %add3A_673 = arith.constant 144 : i32
    %add3A_674 = vector.broadcast %add3A_673 : i32 to vector<16xi32>
    %add3A_675 = arith.addi %iota3A_672, %add3A_674 : vector<16xi32>
    tpu.vector_store_idx %arg10[%add3A_675, %get3A_664], %mul3A_671 : memref<256x64xf32, #tpu.memory_space<vmem>>[vector<16xi32>, vector<16xi32>], vector<16xf32>,
    %get3A_676 = arith.constant 672 : index
    %get3A_677 = tpu.vector_load %arg9[%get3A_676] {strides = array<i32>} : memref<1024xi32, #tpu.memory_space<vmem>>, vector<16xi32>,
    %get3A_678 = arith.constant 672 : index
    %get3A_679 = tpu.vector_load %arg8[%get3A_678] {strides = array<i32>} : memref<1024xf32, #tpu.memory_space<vmem>>, vector<16xf32>,
    %gather3A_680 = tpu.vector_load_idx %arg7[%get3A_677] : memref<128xf32, #tpu.memory_space<vmem>>[vector<16xi32>], vector<16xf32>,
    %div3A_681 = arith.divf %get3A_679, %gather3A_680 : vector<16xf32>
    %mul3A_682 = arith.constant 3.276800e+04 : f32
    %mul3A_683 = vector.broadcast %mul3A_682 : f32 to vector<16xf32>
    %mul3A_684 = arith.mulf %div3A_681, %mul3A_683 : vector<16xf32>
    %iota3A_685 = tpu.iota {dimensions = array<i32: 0>} : vector<16xi32>
    %add3A_686 = arith.constant 160 : i32
    %add3A_687 = vector.broadcast %add3A_686 : i32 to vector<16xi32>
    %add3A_688 = arith.addi %iota3A_685, %add3A_687 : vector<16xi32>
    tpu.vector_store_idx %arg10[%add3A_688, %get3A_677], %mul3A_684 : memref<256x64xf32, #tpu.memory_space<vmem>>[vector<16xi32>, vector<16xi32>], vector<16xf32>,
    %get3A_689 = arith.constant 688 : index
    %get3A_690 = tpu.vector_load %arg9[%get3A_689] {strides = array<i32>} : memref<1024xi32, #tpu.memory_space<vmem>>, vector<16xi32>,
    %get3A_691 = arith.constant 688 : index
    %get3A_692 = tpu.vector_load %arg8[%get3A_691] {strides = array<i32>} : memref<1024xf32, #tpu.memory_space<vmem>>, vector<16xf32>,
    %gather3A_693 = tpu.vector_load_idx %arg7[%get3A_690] : memref<128xf32, #tpu.memory_space<vmem>>[vector<16xi32>], vector<16xf32>,
    %div3A_694 = arith.divf %get3A_692, %gather3A_693 : vector<16xf32>
    %mul3A_695 = arith.constant 3.276800e+04 : f32
    %mul3A_696 = vector.broadcast %mul3A_695 : f32 to vector<16xf32>
    %mul3A_697 = arith.mulf %div3A_694, %mul3A_696 : vector<16xf32>
    %iota3A_698 = tpu.iota {dimensions = array<i32: 0>} : vector<16xi32>
    %add3A_699 = arith.constant 176 : i32
    %add3A_700 = vector.broadcast %add3A_699 : i32 to vector<16xi32>
    %add3A_701 = arith.addi %iota3A_698, %add3A_700 : vector<16xi32>
    tpu.vector_store_idx %arg10[%add3A_701, %get3A_690], %mul3A_697 : memref<256x64xf32, #tpu.memory_space<vmem>>[vector<16xi32>, vector<16xi32>], vector<16xf32>,
    %get3A_702 = arith.constant 704 : index
    %get3A_703 = tpu.vector_load %arg9[%get3A_702] {strides = array<i32>} : memref<1024xi32, #tpu.memory_space<vmem>>, vector<16xi32>,
    %get3A_704 = arith.constant 704 : index
    %get3A_705 = tpu.vector_load %arg8[%get3A_704] {strides = array<i32>} : memref<1024xf32, #tpu.memory_space<vmem>>, vector<16xf32>,
    %gather3A_706 = tpu.vector_load_idx %arg7[%get3A_703] : memref<128xf32, #tpu.memory_space<vmem>>[vector<16xi32>], vector<16xf32>,
    %div3A_707 = arith.divf %get3A_705, %gather3A_706 : vector<16xf32>
    %mul3A_708 = arith.constant 3.276800e+04 : f32
    %mul3A_709 = vector.broadcast %mul3A_708 : f32 to vector<16xf32>
    %mul3A_710 = arith.mulf %div3A_707, %mul3A_709 : vector<16xf32>
    %iota3A_711 = tpu.iota {dimensions = array<i32: 0>} : vector<16xi32>
    %add3A_712 = arith.constant 192 : i32
    %add3A_713 = vector.broadcast %add3A_712 : i32 to vector<16xi32>
    %add3A_714 = arith.addi %iota3A_711, %add3A_713 : vector<16xi32>
    tpu.vector_store_idx %arg10[%add3A_714, %get3A_703], %mul3A_710 : memref<256x64xf32, #tpu.memory_space<vmem>>[vector<16xi32>, vector<16xi32>], vector<16xf32>,
    %get3A_715 = arith.constant 720 : index
    %get3A_716 = tpu.vector_load %arg9[%get3A_715] {strides = array<i32>} : memref<1024xi32, #tpu.memory_space<vmem>>, vector<16xi32>,
    %get3A_717 = arith.constant 720 : index
    %get3A_718 = tpu.vector_load %arg8[%get3A_717] {strides = array<i32>} : memref<1024xf32, #tpu.memory_space<vmem>>, vector<16xf32>,
    %gather3A_719 = tpu.vector_load_idx %arg7[%get3A_716] : memref<128xf32, #tpu.memory_space<vmem>>[vector<16xi32>], vector<16xf32>,
    %div3A_720 = arith.divf %get3A_718, %gather3A_719 : vector<16xf32>
    %mul3A_721 = arith.constant 3.276800e+04 : f32
    %mul3A_722 = vector.broadcast %mul3A_721 : f32 to vector<16xf32>
    %mul3A_723 = arith.mulf %div3A_720, %mul3A_722 : vector<16xf32>
    %iota3A_724 = tpu.iota {dimensions = array<i32: 0>} : vector<16xi32>
    %add3A_725 = arith.constant 208 : i32
    %add3A_726 = vector.broadcast %add3A_725 : i32 to vector<16xi32>
    %add3A_727 = arith.addi %iota3A_724, %add3A_726 : vector<16xi32>
    tpu.vector_store_idx %arg10[%add3A_727, %get3A_716], %mul3A_723 : memref<256x64xf32, #tpu.memory_space<vmem>>[vector<16xi32>, vector<16xi32>], vector<16xf32>,
    %get3A_728 = arith.constant 736 : index
    %get3A_729 = tpu.vector_load %arg9[%get3A_728] {strides = array<i32>} : memref<1024xi32, #tpu.memory_space<vmem>>, vector<16xi32>,
    %get3A_730 = arith.constant 736 : index
    %get3A_731 = tpu.vector_load %arg8[%get3A_730] {strides = array<i32>} : memref<1024xf32, #tpu.memory_space<vmem>>, vector<16xf32>,
    %gather3A_732 = tpu.vector_load_idx %arg7[%get3A_729] : memref<128xf32, #tpu.memory_space<vmem>>[vector<16xi32>], vector<16xf32>,
    %div3A_733 = arith.divf %get3A_731, %gather3A_732 : vector<16xf32>
    %mul3A_734 = arith.constant 3.276800e+04 : f32
    %mul3A_735 = vector.broadcast %mul3A_734 : f32 to vector<16xf32>
    %mul3A_736 = arith.mulf %div3A_733, %mul3A_735 : vector<16xf32>
    %iota3A_737 = tpu.iota {dimensions = array<i32: 0>} : vector<16xi32>
    %add3A_738 = arith.constant 224 : i32
    %add3A_739 = vector.broadcast %add3A_738 : i32 to vector<16xi32>
    %add3A_740 = arith.addi %iota3A_737, %add3A_739 : vector<16xi32>
    tpu.vector_store_idx %arg10[%add3A_740, %get3A_729], %mul3A_736 : memref<256x64xf32, #tpu.memory_space<vmem>>[vector<16xi32>, vector<16xi32>], vector<16xf32>,
    %get3A_741 = arith.constant 752 : index
    %get3A_742 = tpu.vector_load %arg9[%get3A_741] {strides = array<i32>} : memref<1024xi32, #tpu.memory_space<vmem>>, vector<16xi32>,
    %get3A_743 = arith.constant 752 : index
    %get3A_744 = tpu.vector_load %arg8[%get3A_743] {strides = array<i32>} : memref<1024xf32, #tpu.memory_space<vmem>>, vector<16xf32>,
    %gather3A_745 = tpu.vector_load_idx %arg7[%get3A_742] : memref<128xf32, #tpu.memory_space<vmem>>[vector<16xi32>], vector<16xf32>,
    %div3A_746 = arith.divf %get3A_744, %gather3A_745 : vector<16xf32>
    %mul3A_747 = arith.constant 3.276800e+04 : f32
    %mul3A_748 = vector.broadcast %mul3A_747 : f32 to vector<16xf32>
    %mul3A_749 = arith.mulf %div3A_746, %mul3A_748 : vector<16xf32>
    %iota3A_750 = tpu.iota {dimensions = array<i32: 0>} : vector<16xi32>
    %add3A_751 = arith.constant 240 : i32
    %add3A_752 = vector.broadcast %add3A_751 : i32 to vector<16xi32>
    %add3A_753 = arith.addi %iota3A_750, %add3A_752 : vector<16xi32>
    tpu.vector_store_idx %arg10[%add3A_753, %get3A_742], %mul3A_749 : memref<256x64xf32, #tpu.memory_space<vmem>>[vector<16xi32>, vector<16xi32>], vector<16xf32>,
    %add3A_754 = arith.constant 512 : i32
    %add3A_755 = arith.addi %mul3A_2, %add3A_754 : i32
    "tpu.region"() ({
      %run_scoped3A = tpu.sem_alloc : memref<!tpu.dma_semaphore, #tpu.memory_space<semaphore_mem>>
      %dma_start3A = arith.constant 0 : i32
      %dma_start3A_972 = tpu.memref_slice %arg5[%add3A_755, %dma_start3A] : memref<32768x64xf32, #tpu.memory_space<hbm>> -> memref<256x64xf32, #tpu.memory_space<hbm>>
      %dma_start3A_973 = arith.constant 0 : i32
      %dma_start3A_974 = tpu.memref_slice %arg5[%add3A_755, %dma_start3A_973] : memref<32768x64xf32, #tpu.memory_space<hbm>> -> memref<256x64xf32, #tpu.memory_space<hbm>>
      tpu.enqueue_dma source(%arg10 : memref<256x64xf32, #tpu.memory_space<vmem>>) target(%dma_start3A_974 : memref<256x64xf32, #tpu.memory_space<hbm>>) target_semaphore(%run_scoped3A : memref<!tpu.dma_semaphore, #tpu.memory_space<semaphore_mem>>)
      %dma_wait3A = arith.constant 0 : i32
      %dma_wait3A_975 = tpu.memref_slice %arg5[%add3A_755, %dma_wait3A] : memref<32768x64xf32, #tpu.memory_space<hbm>> -> memref<256x64xf32, #tpu.memory_space<hbm>>
      %dma_wait3A_976 = arith.constant 0 : i32
      %dma_wait3A_977 = tpu.memref_slice %arg5[%add3A_755, %dma_wait3A_976] : memref<32768x64xf32, #tpu.memory_space<hbm>> -> memref<256x64xf32, #tpu.memory_space<hbm>>
      tpu.wait_dma2 semaphore(%run_scoped3A : memref<!tpu.dma_semaphore, #tpu.memory_space<semaphore_mem>>) src(%arg10 : memref<256x64xf32, #tpu.memory_space<vmem>>) dst(%dma_wait3A_977 : memref<256x64xf32, #tpu.memory_space<hbm>>)
      tpu.yield
    }) : () -> ()
    %scan3A_756 = arith.constant 0 : i32
    %scan3A_757 = arith.constant 0 : i32
    %scan3A_758 = arith.constant 256 : i32
    %scan3A_759 = arith.addi %scan3A_757, %scan3A_758 : i32
    %scan3A_760 = arith.constant 1 : i32
    scf.for %scan3A_972 = %scan3A_757 to %scan3A_759 step %scan3A_760  : i32 {
      %broadcast_in_dim3A_973 = arith.constant 0.000000e+00 : f32
      %broadcast_in_dim3A_974 = vector.broadcast %broadcast_in_dim3A_973 : f32 to vector<16xf32>
      %swap3A_975 = arith.index_cast %scan3A_972 : i32 to index
      %swap3A_976 = arith.constant 0 : index
      %swap3A_977 = tpu.vector_load %arg10[%swap3A_975, %swap3A_976] {strides = array<i32>} : memref<256x64xf32, #tpu.memory_space<vmem>>, vector<16xf32>,
      tpu.vector_store %arg10[%swap3A_975, %swap3A_976], %broadcast_in_dim3A_974 {strides = array<i32>} : memref<256x64xf32, #tpu.memory_space<vmem>>, vector<16xf32>,
      %broadcast_in_dim3A_978 = arith.constant 0.000000e+00 : f32
      %broadcast_in_dim3A_979 = vector.broadcast %broadcast_in_dim3A_978 : f32 to vector<16xf32>
      %swap3A_980 = arith.index_cast %scan3A_972 : i32 to index
      %swap3A_981 = arith.constant 16 : index
      %swap3A_982 = tpu.vector_load %arg10[%swap3A_980, %swap3A_981] {strides = array<i32>} : memref<256x64xf32, #tpu.memory_space<vmem>>, vector<16xf32>,
      tpu.vector_store %arg10[%swap3A_980, %swap3A_981], %broadcast_in_dim3A_979 {strides = array<i32>} : memref<256x64xf32, #tpu.memory_space<vmem>>, vector<16xf32>,
      %broadcast_in_dim3A_983 = arith.constant 0.000000e+00 : f32
      %broadcast_in_dim3A_984 = vector.broadcast %broadcast_in_dim3A_983 : f32 to vector<16xf32>
      %swap3A_985 = arith.index_cast %scan3A_972 : i32 to index
      %swap3A_986 = arith.constant 32 : index
      %swap3A_987 = tpu.vector_load %arg10[%swap3A_985, %swap3A_986] {strides = array<i32>} : memref<256x64xf32, #tpu.memory_space<vmem>>, vector<16xf32>,
      tpu.vector_store %arg10[%swap3A_985, %swap3A_986], %broadcast_in_dim3A_984 {strides = array<i32>} : memref<256x64xf32, #tpu.memory_space<vmem>>, vector<16xf32>,
      %broadcast_in_dim3A_988 = arith.constant 0.000000e+00 : f32
      %broadcast_in_dim3A_989 = vector.broadcast %broadcast_in_dim3A_988 : f32 to vector<16xf32>
      %swap3A_990 = arith.index_cast %scan3A_972 : i32 to index
      %swap3A_991 = arith.constant 48 : index
      %swap3A_992 = tpu.vector_load %arg10[%swap3A_990, %swap3A_991] {strides = array<i32>} : memref<256x64xf32, #tpu.memory_space<vmem>>, vector<16xf32>,
      tpu.vector_store %arg10[%swap3A_990, %swap3A_991], %broadcast_in_dim3A_989 {strides = array<i32>} : memref<256x64xf32, #tpu.memory_space<vmem>>, vector<16xf32>,
    }
    %scan3A_761 = arith.constant 256 : i32
    %get3A_762 = arith.constant 768 : index
    %get3A_763 = tpu.vector_load %arg9[%get3A_762] {strides = array<i32>} : memref<1024xi32, #tpu.memory_space<vmem>>, vector<16xi32>,
    %get3A_764 = arith.constant 768 : index
    %get3A_765 = tpu.vector_load %arg8[%get3A_764] {strides = array<i32>} : memref<1024xf32, #tpu.memory_space<vmem>>, vector<16xf32>,
    %gather3A_766 = tpu.vector_load_idx %arg7[%get3A_763] : memref<128xf32, #tpu.memory_space<vmem>>[vector<16xi32>], vector<16xf32>,
    %div3A_767 = arith.divf %get3A_765, %gather3A_766 : vector<16xf32>
    %mul3A_768 = arith.constant 3.276800e+04 : f32
    %mul3A_769 = vector.broadcast %mul3A_768 : f32 to vector<16xf32>
    %mul3A_770 = arith.mulf %div3A_767, %mul3A_769 : vector<16xf32>
    %iota3A_771 = tpu.iota {dimensions = array<i32: 0>} : vector<16xi32>
    %add3A_772 = arith.constant 0 : i32
    %add3A_773 = vector.broadcast %add3A_772 : i32 to vector<16xi32>
    %add3A_774 = arith.addi %iota3A_771, %add3A_773 : vector<16xi32>
    tpu.vector_store_idx %arg10[%add3A_774, %get3A_763], %mul3A_770 : memref<256x64xf32, #tpu.memory_space<vmem>>[vector<16xi32>, vector<16xi32>], vector<16xf32>,
    %get3A_775 = arith.constant 784 : index
    %get3A_776 = tpu.vector_load %arg9[%get3A_775] {strides = array<i32>} : memref<1024xi32, #tpu.memory_space<vmem>>, vector<16xi32>,
    %get3A_777 = arith.constant 784 : index
    %get3A_778 = tpu.vector_load %arg8[%get3A_777] {strides = array<i32>} : memref<1024xf32, #tpu.memory_space<vmem>>, vector<16xf32>,
    %gather3A_779 = tpu.vector_load_idx %arg7[%get3A_776] : memref<128xf32, #tpu.memory_space<vmem>>[vector<16xi32>], vector<16xf32>,
    %div3A_780 = arith.divf %get3A_778, %gather3A_779 : vector<16xf32>
    %mul3A_781 = arith.constant 3.276800e+04 : f32
    %mul3A_782 = vector.broadcast %mul3A_781 : f32 to vector<16xf32>
    %mul3A_783 = arith.mulf %div3A_780, %mul3A_782 : vector<16xf32>
    %iota3A_784 = tpu.iota {dimensions = array<i32: 0>} : vector<16xi32>
    %add3A_785 = arith.constant 16 : i32
    %add3A_786 = vector.broadcast %add3A_785 : i32 to vector<16xi32>
    %add3A_787 = arith.addi %iota3A_784, %add3A_786 : vector<16xi32>
    tpu.vector_store_idx %arg10[%add3A_787, %get3A_776], %mul3A_783 : memref<256x64xf32, #tpu.memory_space<vmem>>[vector<16xi32>, vector<16xi32>], vector<16xf32>,
    %get3A_788 = arith.constant 800 : index
    %get3A_789 = tpu.vector_load %arg9[%get3A_788] {strides = array<i32>} : memref<1024xi32, #tpu.memory_space<vmem>>, vector<16xi32>,
    %get3A_790 = arith.constant 800 : index
    %get3A_791 = tpu.vector_load %arg8[%get3A_790] {strides = array<i32>} : memref<1024xf32, #tpu.memory_space<vmem>>, vector<16xf32>,
    %gather3A_792 = tpu.vector_load_idx %arg7[%get3A_789] : memref<128xf32, #tpu.memory_space<vmem>>[vector<16xi32>], vector<16xf32>,
    %div3A_793 = arith.divf %get3A_791, %gather3A_792 : vector<16xf32>
    %mul3A_794 = arith.constant 3.276800e+04 : f32
    %mul3A_795 = vector.broadcast %mul3A_794 : f32 to vector<16xf32>
    %mul3A_796 = arith.mulf %div3A_793, %mul3A_795 : vector<16xf32>
    %iota3A_797 = tpu.iota {dimensions = array<i32: 0>} : vector<16xi32>
    %add3A_798 = arith.constant 32 : i32
    %add3A_799 = vector.broadcast %add3A_798 : i32 to vector<16xi32>
    %add3A_800 = arith.addi %iota3A_797, %add3A_799 : vector<16xi32>
    tpu.vector_store_idx %arg10[%add3A_800, %get3A_789], %mul3A_796 : memref<256x64xf32, #tpu.memory_space<vmem>>[vector<16xi32>, vector<16xi32>], vector<16xf32>,
    %get3A_801 = arith.constant 816 : index
    %get3A_802 = tpu.vector_load %arg9[%get3A_801] {strides = array<i32>} : memref<1024xi32, #tpu.memory_space<vmem>>, vector<16xi32>,
    %get3A_803 = arith.constant 816 : index
    %get3A_804 = tpu.vector_load %arg8[%get3A_803] {strides = array<i32>} : memref<1024xf32, #tpu.memory_space<vmem>>, vector<16xf32>,
    %gather3A_805 = tpu.vector_load_idx %arg7[%get3A_802] : memref<128xf32, #tpu.memory_space<vmem>>[vector<16xi32>], vector<16xf32>,
    %div3A_806 = arith.divf %get3A_804, %gather3A_805 : vector<16xf32>
    %mul3A_807 = arith.constant 3.276800e+04 : f32
    %mul3A_808 = vector.broadcast %mul3A_807 : f32 to vector<16xf32>
    %mul3A_809 = arith.mulf %div3A_806, %mul3A_808 : vector<16xf32>
    %iota3A_810 = tpu.iota {dimensions = array<i32: 0>} : vector<16xi32>
    %add3A_811 = arith.constant 48 : i32
    %add3A_812 = vector.broadcast %add3A_811 : i32 to vector<16xi32>
    %add3A_813 = arith.addi %iota3A_810, %add3A_812 : vector<16xi32>
    tpu.vector_store_idx %arg10[%add3A_813, %get3A_802], %mul3A_809 : memref<256x64xf32, #tpu.memory_space<vmem>>[vector<16xi32>, vector<16xi32>], vector<16xf32>,
    %get3A_814 = arith.constant 832 : index
    %get3A_815 = tpu.vector_load %arg9[%get3A_814] {strides = array<i32>} : memref<1024xi32, #tpu.memory_space<vmem>>, vector<16xi32>,
    %get3A_816 = arith.constant 832 : index
    %get3A_817 = tpu.vector_load %arg8[%get3A_816] {strides = array<i32>} : memref<1024xf32, #tpu.memory_space<vmem>>, vector<16xf32>,
    %gather3A_818 = tpu.vector_load_idx %arg7[%get3A_815] : memref<128xf32, #tpu.memory_space<vmem>>[vector<16xi32>], vector<16xf32>,
    %div3A_819 = arith.divf %get3A_817, %gather3A_818 : vector<16xf32>
    %mul3A_820 = arith.constant 3.276800e+04 : f32
    %mul3A_821 = vector.broadcast %mul3A_820 : f32 to vector<16xf32>
    %mul3A_822 = arith.mulf %div3A_819, %mul3A_821 : vector<16xf32>
    %iota3A_823 = tpu.iota {dimensions = array<i32: 0>} : vector<16xi32>
    %add3A_824 = arith.constant 64 : i32
    %add3A_825 = vector.broadcast %add3A_824 : i32 to vector<16xi32>
    %add3A_826 = arith.addi %iota3A_823, %add3A_825 : vector<16xi32>
    tpu.vector_store_idx %arg10[%add3A_826, %get3A_815], %mul3A_822 : memref<256x64xf32, #tpu.memory_space<vmem>>[vector<16xi32>, vector<16xi32>], vector<16xf32>,
    %get3A_827 = arith.constant 848 : index
    %get3A_828 = tpu.vector_load %arg9[%get3A_827] {strides = array<i32>} : memref<1024xi32, #tpu.memory_space<vmem>>, vector<16xi32>,
    %get3A_829 = arith.constant 848 : index
    %get3A_830 = tpu.vector_load %arg8[%get3A_829] {strides = array<i32>} : memref<1024xf32, #tpu.memory_space<vmem>>, vector<16xf32>,
    %gather3A_831 = tpu.vector_load_idx %arg7[%get3A_828] : memref<128xf32, #tpu.memory_space<vmem>>[vector<16xi32>], vector<16xf32>,
    %div3A_832 = arith.divf %get3A_830, %gather3A_831 : vector<16xf32>
    %mul3A_833 = arith.constant 3.276800e+04 : f32
    %mul3A_834 = vector.broadcast %mul3A_833 : f32 to vector<16xf32>
    %mul3A_835 = arith.mulf %div3A_832, %mul3A_834 : vector<16xf32>
    %iota3A_836 = tpu.iota {dimensions = array<i32: 0>} : vector<16xi32>
    %add3A_837 = arith.constant 80 : i32
    %add3A_838 = vector.broadcast %add3A_837 : i32 to vector<16xi32>
    %add3A_839 = arith.addi %iota3A_836, %add3A_838 : vector<16xi32>
    tpu.vector_store_idx %arg10[%add3A_839, %get3A_828], %mul3A_835 : memref<256x64xf32, #tpu.memory_space<vmem>>[vector<16xi32>, vector<16xi32>], vector<16xf32>,
    %get3A_840 = arith.constant 864 : index
    %get3A_841 = tpu.vector_load %arg9[%get3A_840] {strides = array<i32>} : memref<1024xi32, #tpu.memory_space<vmem>>, vector<16xi32>,
    %get3A_842 = arith.constant 864 : index
    %get3A_843 = tpu.vector_load %arg8[%get3A_842] {strides = array<i32>} : memref<1024xf32, #tpu.memory_space<vmem>>, vector<16xf32>,
    %gather3A_844 = tpu.vector_load_idx %arg7[%get3A_841] : memref<128xf32, #tpu.memory_space<vmem>>[vector<16xi32>], vector<16xf32>,
    %div3A_845 = arith.divf %get3A_843, %gather3A_844 : vector<16xf32>
    %mul3A_846 = arith.constant 3.276800e+04 : f32
    %mul3A_847 = vector.broadcast %mul3A_846 : f32 to vector<16xf32>
    %mul3A_848 = arith.mulf %div3A_845, %mul3A_847 : vector<16xf32>
    %iota3A_849 = tpu.iota {dimensions = array<i32: 0>} : vector<16xi32>
    %add3A_850 = arith.constant 96 : i32
    %add3A_851 = vector.broadcast %add3A_850 : i32 to vector<16xi32>
    %add3A_852 = arith.addi %iota3A_849, %add3A_851 : vector<16xi32>
    tpu.vector_store_idx %arg10[%add3A_852, %get3A_841], %mul3A_848 : memref<256x64xf32, #tpu.memory_space<vmem>>[vector<16xi32>, vector<16xi32>], vector<16xf32>,
    %get3A_853 = arith.constant 880 : index
    %get3A_854 = tpu.vector_load %arg9[%get3A_853] {strides = array<i32>} : memref<1024xi32, #tpu.memory_space<vmem>>, vector<16xi32>,
    %get3A_855 = arith.constant 880 : index
    %get3A_856 = tpu.vector_load %arg8[%get3A_855] {strides = array<i32>} : memref<1024xf32, #tpu.memory_space<vmem>>, vector<16xf32>,
    %gather3A_857 = tpu.vector_load_idx %arg7[%get3A_854] : memref<128xf32, #tpu.memory_space<vmem>>[vector<16xi32>], vector<16xf32>,
    %div3A_858 = arith.divf %get3A_856, %gather3A_857 : vector<16xf32>
    %mul3A_859 = arith.constant 3.276800e+04 : f32
    %mul3A_860 = vector.broadcast %mul3A_859 : f32 to vector<16xf32>
    %mul3A_861 = arith.mulf %div3A_858, %mul3A_860 : vector<16xf32>
    %iota3A_862 = tpu.iota {dimensions = array<i32: 0>} : vector<16xi32>
    %add3A_863 = arith.constant 112 : i32
    %add3A_864 = vector.broadcast %add3A_863 : i32 to vector<16xi32>
    %add3A_865 = arith.addi %iota3A_862, %add3A_864 : vector<16xi32>
    tpu.vector_store_idx %arg10[%add3A_865, %get3A_854], %mul3A_861 : memref<256x64xf32, #tpu.memory_space<vmem>>[vector<16xi32>, vector<16xi32>], vector<16xf32>,
    %get3A_866 = arith.constant 896 : index
    %get3A_867 = tpu.vector_load %arg9[%get3A_866] {strides = array<i32>} : memref<1024xi32, #tpu.memory_space<vmem>>, vector<16xi32>,
    %get3A_868 = arith.constant 896 : index
    %get3A_869 = tpu.vector_load %arg8[%get3A_868] {strides = array<i32>} : memref<1024xf32, #tpu.memory_space<vmem>>, vector<16xf32>,
    %gather3A_870 = tpu.vector_load_idx %arg7[%get3A_867] : memref<128xf32, #tpu.memory_space<vmem>>[vector<16xi32>], vector<16xf32>,
    %div3A_871 = arith.divf %get3A_869, %gather3A_870 : vector<16xf32>
    %mul3A_872 = arith.constant 3.276800e+04 : f32
    %mul3A_873 = vector.broadcast %mul3A_872 : f32 to vector<16xf32>
    %mul3A_874 = arith.mulf %div3A_871, %mul3A_873 : vector<16xf32>
    %iota3A_875 = tpu.iota {dimensions = array<i32: 0>} : vector<16xi32>
    %add3A_876 = arith.constant 128 : i32
    %add3A_877 = vector.broadcast %add3A_876 : i32 to vector<16xi32>
    %add3A_878 = arith.addi %iota3A_875, %add3A_877 : vector<16xi32>
    tpu.vector_store_idx %arg10[%add3A_878, %get3A_867], %mul3A_874 : memref<256x64xf32, #tpu.memory_space<vmem>>[vector<16xi32>, vector<16xi32>], vector<16xf32>,
    %get3A_879 = arith.constant 912 : index
    %get3A_880 = tpu.vector_load %arg9[%get3A_879] {strides = array<i32>} : memref<1024xi32, #tpu.memory_space<vmem>>, vector<16xi32>,
    %get3A_881 = arith.constant 912 : index
    %get3A_882 = tpu.vector_load %arg8[%get3A_881] {strides = array<i32>} : memref<1024xf32, #tpu.memory_space<vmem>>, vector<16xf32>,
    %gather3A_883 = tpu.vector_load_idx %arg7[%get3A_880] : memref<128xf32, #tpu.memory_space<vmem>>[vector<16xi32>], vector<16xf32>,
    %div3A_884 = arith.divf %get3A_882, %gather3A_883 : vector<16xf32>
    %mul3A_885 = arith.constant 3.276800e+04 : f32
    %mul3A_886 = vector.broadcast %mul3A_885 : f32 to vector<16xf32>
    %mul3A_887 = arith.mulf %div3A_884, %mul3A_886 : vector<16xf32>
    %iota3A_888 = tpu.iota {dimensions = array<i32: 0>} : vector<16xi32>
    %add3A_889 = arith.constant 144 : i32
    %add3A_890 = vector.broadcast %add3A_889 : i32 to vector<16xi32>
    %add3A_891 = arith.addi %iota3A_888, %add3A_890 : vector<16xi32>
    tpu.vector_store_idx %arg10[%add3A_891, %get3A_880], %mul3A_887 : memref<256x64xf32, #tpu.memory_space<vmem>>[vector<16xi32>, vector<16xi32>], vector<16xf32>,
    %get3A_892 = arith.constant 928 : index
    %get3A_893 = tpu.vector_load %arg9[%get3A_892] {strides = array<i32>} : memref<1024xi32, #tpu.memory_space<vmem>>, vector<16xi32>,
    %get3A_894 = arith.constant 928 : index
    %get3A_895 = tpu.vector_load %arg8[%get3A_894] {strides = array<i32>} : memref<1024xf32, #tpu.memory_space<vmem>>, vector<16xf32>,
    %gather3A_896 = tpu.vector_load_idx %arg7[%get3A_893] : memref<128xf32, #tpu.memory_space<vmem>>[vector<16xi32>], vector<16xf32>,
    %div3A_897 = arith.divf %get3A_895, %gather3A_896 : vector<16xf32>
    %mul3A_898 = arith.constant 3.276800e+04 : f32
    %mul3A_899 = vector.broadcast %mul3A_898 : f32 to vector<16xf32>
    %mul3A_900 = arith.mulf %div3A_897, %mul3A_899 : vector<16xf32>
    %iota3A_901 = tpu.iota {dimensions = array<i32: 0>} : vector<16xi32>
    %add3A_902 = arith.constant 160 : i32
    %add3A_903 = vector.broadcast %add3A_902 : i32 to vector<16xi32>
    %add3A_904 = arith.addi %iota3A_901, %add3A_903 : vector<16xi32>
    tpu.vector_store_idx %arg10[%add3A_904, %get3A_893], %mul3A_900 : memref<256x64xf32, #tpu.memory_space<vmem>>[vector<16xi32>, vector<16xi32>], vector<16xf32>,
    %get3A_905 = arith.constant 944 : index
    %get3A_906 = tpu.vector_load %arg9[%get3A_905] {strides = array<i32>} : memref<1024xi32, #tpu.memory_space<vmem>>, vector<16xi32>,
    %get3A_907 = arith.constant 944 : index
    %get3A_908 = tpu.vector_load %arg8[%get3A_907] {strides = array<i32>} : memref<1024xf32, #tpu.memory_space<vmem>>, vector<16xf32>,
    %gather3A_909 = tpu.vector_load_idx %arg7[%get3A_906] : memref<128xf32, #tpu.memory_space<vmem>>[vector<16xi32>], vector<16xf32>,
    %div3A_910 = arith.divf %get3A_908, %gather3A_909 : vector<16xf32>
    %mul3A_911 = arith.constant 3.276800e+04 : f32
    %mul3A_912 = vector.broadcast %mul3A_911 : f32 to vector<16xf32>
    %mul3A_913 = arith.mulf %div3A_910, %mul3A_912 : vector<16xf32>
    %iota3A_914 = tpu.iota {dimensions = array<i32: 0>} : vector<16xi32>
    %add3A_915 = arith.constant 176 : i32
    %add3A_916 = vector.broadcast %add3A_915 : i32 to vector<16xi32>
    %add3A_917 = arith.addi %iota3A_914, %add3A_916 : vector<16xi32>
    tpu.vector_store_idx %arg10[%add3A_917, %get3A_906], %mul3A_913 : memref<256x64xf32, #tpu.memory_space<vmem>>[vector<16xi32>, vector<16xi32>], vector<16xf32>,
    %get3A_918 = arith.constant 960 : index
    %get3A_919 = tpu.vector_load %arg9[%get3A_918] {strides = array<i32>} : memref<1024xi32, #tpu.memory_space<vmem>>, vector<16xi32>,
    %get3A_920 = arith.constant 960 : index
    %get3A_921 = tpu.vector_load %arg8[%get3A_920] {strides = array<i32>} : memref<1024xf32, #tpu.memory_space<vmem>>, vector<16xf32>,
    %gather3A_922 = tpu.vector_load_idx %arg7[%get3A_919] : memref<128xf32, #tpu.memory_space<vmem>>[vector<16xi32>], vector<16xf32>,
    %div3A_923 = arith.divf %get3A_921, %gather3A_922 : vector<16xf32>
    %mul3A_924 = arith.constant 3.276800e+04 : f32
    %mul3A_925 = vector.broadcast %mul3A_924 : f32 to vector<16xf32>
    %mul3A_926 = arith.mulf %div3A_923, %mul3A_925 : vector<16xf32>
    %iota3A_927 = tpu.iota {dimensions = array<i32: 0>} : vector<16xi32>
    %add3A_928 = arith.constant 192 : i32
    %add3A_929 = vector.broadcast %add3A_928 : i32 to vector<16xi32>
    %add3A_930 = arith.addi %iota3A_927, %add3A_929 : vector<16xi32>
    tpu.vector_store_idx %arg10[%add3A_930, %get3A_919], %mul3A_926 : memref<256x64xf32, #tpu.memory_space<vmem>>[vector<16xi32>, vector<16xi32>], vector<16xf32>,
    %get3A_931 = arith.constant 976 : index
    %get3A_932 = tpu.vector_load %arg9[%get3A_931] {strides = array<i32>} : memref<1024xi32, #tpu.memory_space<vmem>>, vector<16xi32>,
    %get3A_933 = arith.constant 976 : index
    %get3A_934 = tpu.vector_load %arg8[%get3A_933] {strides = array<i32>} : memref<1024xf32, #tpu.memory_space<vmem>>, vector<16xf32>,
    %gather3A_935 = tpu.vector_load_idx %arg7[%get3A_932] : memref<128xf32, #tpu.memory_space<vmem>>[vector<16xi32>], vector<16xf32>,
    %div3A_936 = arith.divf %get3A_934, %gather3A_935 : vector<16xf32>
    %mul3A_937 = arith.constant 3.276800e+04 : f32
    %mul3A_938 = vector.broadcast %mul3A_937 : f32 to vector<16xf32>
    %mul3A_939 = arith.mulf %div3A_936, %mul3A_938 : vector<16xf32>
    %iota3A_940 = tpu.iota {dimensions = array<i32: 0>} : vector<16xi32>
    %add3A_941 = arith.constant 208 : i32
    %add3A_942 = vector.broadcast %add3A_941 : i32 to vector<16xi32>
    %add3A_943 = arith.addi %iota3A_940, %add3A_942 : vector<16xi32>
    tpu.vector_store_idx %arg10[%add3A_943, %get3A_932], %mul3A_939 : memref<256x64xf32, #tpu.memory_space<vmem>>[vector<16xi32>, vector<16xi32>], vector<16xf32>,
    %get3A_944 = arith.constant 992 : index
    %get3A_945 = tpu.vector_load %arg9[%get3A_944] {strides = array<i32>} : memref<1024xi32, #tpu.memory_space<vmem>>, vector<16xi32>,
    %get3A_946 = arith.constant 992 : index
    %get3A_947 = tpu.vector_load %arg8[%get3A_946] {strides = array<i32>} : memref<1024xf32, #tpu.memory_space<vmem>>, vector<16xf32>,
    %gather3A_948 = tpu.vector_load_idx %arg7[%get3A_945] : memref<128xf32, #tpu.memory_space<vmem>>[vector<16xi32>], vector<16xf32>,
    %div3A_949 = arith.divf %get3A_947, %gather3A_948 : vector<16xf32>
    %mul3A_950 = arith.constant 3.276800e+04 : f32
    %mul3A_951 = vector.broadcast %mul3A_950 : f32 to vector<16xf32>
    %mul3A_952 = arith.mulf %div3A_949, %mul3A_951 : vector<16xf32>
    %iota3A_953 = tpu.iota {dimensions = array<i32: 0>} : vector<16xi32>
    %add3A_954 = arith.constant 224 : i32
    %add3A_955 = vector.broadcast %add3A_954 : i32 to vector<16xi32>
    %add3A_956 = arith.addi %iota3A_953, %add3A_955 : vector<16xi32>
    tpu.vector_store_idx %arg10[%add3A_956, %get3A_945], %mul3A_952 : memref<256x64xf32, #tpu.memory_space<vmem>>[vector<16xi32>, vector<16xi32>], vector<16xf32>,
    %get3A_957 = arith.constant 1008 : index
    %get3A_958 = tpu.vector_load %arg9[%get3A_957] {strides = array<i32>} : memref<1024xi32, #tpu.memory_space<vmem>>, vector<16xi32>,
    %get3A_959 = arith.constant 1008 : index
    %get3A_960 = tpu.vector_load %arg8[%get3A_959] {strides = array<i32>} : memref<1024xf32, #tpu.memory_space<vmem>>, vector<16xf32>,
    %gather3A_961 = tpu.vector_load_idx %arg7[%get3A_958] : memref<128xf32, #tpu.memory_space<vmem>>[vector<16xi32>], vector<16xf32>,
    %div3A_962 = arith.divf %get3A_960, %gather3A_961 : vector<16xf32>
    %mul3A_963 = arith.constant 3.276800e+04 : f32
    %mul3A_964 = vector.broadcast %mul3A_963 : f32 to vector<16xf32>
    %mul3A_965 = arith.mulf %div3A_962, %mul3A_964 : vector<16xf32>
    %iota3A_966 = tpu.iota {dimensions = array<i32: 0>} : vector<16xi32>
    %add3A_967 = arith.constant 240 : i32
    %add3A_968 = vector.broadcast %add3A_967 : i32 to vector<16xi32>
    %add3A_969 = arith.addi %iota3A_966, %add3A_968 : vector<16xi32>
    tpu.vector_store_idx %arg10[%add3A_969, %get3A_958], %mul3A_965 : memref<256x64xf32, #tpu.memory_space<vmem>>[vector<16xi32>, vector<16xi32>], vector<16xf32>,
    %add3A_970 = arith.constant 768 : i32
    %add3A_971 = arith.addi %mul3A_2, %add3A_970 : i32
    "tpu.region"() ({
      %run_scoped3A = tpu.sem_alloc : memref<!tpu.dma_semaphore, #tpu.memory_space<semaphore_mem>>
      %dma_start3A = arith.constant 0 : i32
      %dma_start3A_972 = tpu.memref_slice %arg5[%add3A_971, %dma_start3A] : memref<32768x64xf32, #tpu.memory_space<hbm>> -> memref<256x64xf32, #tpu.memory_space<hbm>>
      %dma_start3A_973 = arith.constant 0 : i32
      %dma_start3A_974 = tpu.memref_slice %arg5[%add3A_971, %dma_start3A_973] : memref<32768x64xf32, #tpu.memory_space<hbm>> -> memref<256x64xf32, #tpu.memory_space<hbm>>
      tpu.enqueue_dma source(%arg10 : memref<256x64xf32, #tpu.memory_space<vmem>>) target(%dma_start3A_974 : memref<256x64xf32, #tpu.memory_space<hbm>>) target_semaphore(%run_scoped3A : memref<!tpu.dma_semaphore, #tpu.memory_space<semaphore_mem>>)
      %dma_wait3A = arith.constant 0 : i32
      %dma_wait3A_975 = tpu.memref_slice %arg5[%add3A_971, %dma_wait3A] : memref<32768x64xf32, #tpu.memory_space<hbm>> -> memref<256x64xf32, #tpu.memory_space<hbm>>
      %dma_wait3A_976 = arith.constant 0 : i32
      %dma_wait3A_977 = tpu.memref_slice %arg5[%add3A_971, %dma_wait3A_976] : memref<32768x64xf32, #tpu.memory_space<hbm>> -> memref<256x64xf32, #tpu.memory_space<hbm>>
      tpu.wait_dma2 semaphore(%run_scoped3A : memref<!tpu.dma_semaphore, #tpu.memory_space<semaphore_mem>>) src(%arg10 : memref<256x64xf32, #tpu.memory_space<vmem>>) dst(%dma_wait3A_977 : memref<256x64xf32, #tpu.memory_space<hbm>>)
      tpu.yield
    }) : () -> ()
    return
  }
}

module attributes {stable_mosaic.version = 14 : i64} {
  func.func @_stage1_body(%arg0: i32, %arg1: memref<4096x768xf32, #tpu.memory_space<vmem>>, %arg2: memref<768x128xf32, #tpu.memory_space<vmem>>, %arg3: memref<1x128xf32, #tpu.memory_space<vmem>>, %arg4: memref<128x64xf32, #tpu.memory_space<vmem>>, %arg5: memref<1x64xf32, #tpu.memory_space<vmem>>, %arg6: memref<4096x1xf32, #tpu.memory_space<vmem>>, %arg7: memref<4096x1xi32, #tpu.memory_space<vmem>>, %arg8: memref<1x1x64xf32, #tpu.memory_space<vmem>>) attributes {dimension_semantics = [#tpu.dimension_semantics<parallel>], iteration_bounds = array<i64: 8>, scalar_prefetch = 0 : i64, scratch_operands = 0 : i64, tpu.core_type = #tpu.core_type<tc>, window_params = [{transform_indices = @transform_0, window_bounds = array<i64: 4096, 768>}, {pipeline_mode = #tpu.pipeline_mode<synchronous>, transform_indices = @transform_1, window_bounds = array<i64: 768, 128>}, {pipeline_mode = #tpu.pipeline_mode<synchronous>, transform_indices = @transform_2, window_bounds = array<i64: 1, 128>}, {pipeline_mode = #tpu.pipeline_mode<synchronous>, transform_indices = @transform_3, window_bounds = array<i64: 128, 64>}, {pipeline_mode = #tpu.pipeline_mode<synchronous>, transform_indices = @transform_4, window_bounds = array<i64: 1, 64>}, {transform_indices = @transform_5, window_bounds = array<i64: 4096, 1>}, {transform_indices = @transform_6, window_bounds = array<i64: 4096, 1>}, {transform_indices = @transform_7, window_bounds = array<i64: 1, 1, 64>}]} {
    %get3A = arith.constant 0 : index
    %get3A_0 = arith.constant 0 : index
    %get3A_1 = vector.load %arg1[%get3A, %get3A_0] : memref<4096x768xf32, #tpu.memory_space<vmem>>, vector<4096x768xf32>
    %get3A_2 = arith.constant 0 : index
    %get3A_3 = arith.constant 0 : index
    %get3A_4 = vector.load %arg2[%get3A_2, %get3A_3] : memref<768x128xf32, #tpu.memory_space<vmem>>, vector<768x128xf32>
    %dot_general3A = arith.constant dense<0.000000e+00> : vector<4096x128xf32>
    %dot_general3A_5 = tpu.matmul %get3A_1, %get3A_4, %dot_general3A {dimension_numbers = #tpu.dot_dimension_numbers<[1], [0], [0], [1], [0, 0, 1, 1], [], []>, transpose_lhs_hint = false} : vector<4096x768xf32>, vector<768x128xf32>, vector<4096x128xf32> -> vector<4096x128xf32>
    %get3A_6 = arith.constant 0 : index
    %get3A_7 = arith.constant 0 : index
    %get3A_8 = vector.load %arg3[%get3A_6, %get3A_7] : memref<1x128xf32, #tpu.memory_space<vmem>>, vector<1x128xf32>
    %add3A = vector.broadcast %get3A_8 : vector<1x128xf32> to vector<4096x128xf32>
    %add3A_9 = arith.addf %dot_general3A_5, %add3A : vector<4096x128xf32>
    %max3A = arith.constant 0.000000e+00 : f32
    %max3A_10 = vector.broadcast %max3A : f32 to vector<4096x128xf32>
    %max3A_11 = arith.maximumf %add3A_9, %max3A_10 : vector<4096x128xf32>
    %get3A_12 = arith.constant 0 : index
    %get3A_13 = arith.constant 0 : index
    %get3A_14 = vector.load %arg4[%get3A_12, %get3A_13] : memref<128x64xf32, #tpu.memory_space<vmem>>, vector<128x64xf32>
    %dot_general3A_15 = arith.constant dense<0.000000e+00> : vector<4096x64xf32>
    %dot_general3A_16 = tpu.matmul %max3A_11, %get3A_14, %dot_general3A_15 {dimension_numbers = #tpu.dot_dimension_numbers<[1], [0], [0], [1], [0, 0, 1, 1], [], []>, transpose_lhs_hint = false} : vector<4096x128xf32>, vector<128x64xf32>, vector<4096x64xf32> -> vector<4096x64xf32>
    %get3A_17 = arith.constant 0 : index
    %get3A_18 = arith.constant 0 : index
    %get3A_19 = vector.load %arg5[%get3A_17, %get3A_18] : memref<1x64xf32, #tpu.memory_space<vmem>>, vector<1x64xf32>
    %add3A_20 = vector.broadcast %get3A_19 : vector<1x64xf32> to vector<4096x64xf32>
    %add3A_21 = arith.addf %dot_general3A_16, %add3A_20 : vector<4096x64xf32>
    %reduce_max3A = arith.constant dense<0xFF800000> : vector<4096xf32>
    %reduce_max3A_22 = vector.multi_reduction <maximumf>, %add3A_21, %reduce_max3A [1] : vector<4096x64xf32> to vector<4096xf32>
    %broadcast_in_dim3A = vector.shape_cast %reduce_max3A_22 : vector<4096xf32> to vector<4096x1xf32>
    %sub3A = vector.broadcast %broadcast_in_dim3A : vector<4096x1xf32> to vector<4096x64xf32>
    %sub3A_23 = arith.subf %add3A_21, %sub3A : vector<4096x64xf32>
    %exp3A = math.exp %sub3A_23 : vector<4096x64xf32>
    %reduce_sum3A = arith.constant dense<0.000000e+00> : vector<4096xf32>
    %reduce_sum3A_24 = vector.multi_reduction <add>, %exp3A, %reduce_sum3A [1] : vector<4096x64xf32> to vector<4096xf32>
    %broadcast_in_dim3A_25 = vector.shape_cast %reduce_sum3A_24 : vector<4096xf32> to vector<4096x1xf32>
    %div3A = vector.broadcast %broadcast_in_dim3A_25 : vector<4096x1xf32> to vector<4096x64xf32>
    %div3A_26 = arith.divf %exp3A, %div3A : vector<4096x64xf32>
    %argmax3A = tpu.reduce_index %div3A_26 {axis = 1 : i32, kind = #tpu.reduction_kind<arg_max>} : vector<4096x64xf32> -> vector<4096xi32>
    %broadcast_in_dim3A_27 = vector.shape_cast %argmax3A : vector<4096xi32> to vector<4096x1xi32>
    %iota3A = tpu.iota {dimensions = array<i32: 1>} : vector<4096x64xi32>
    %eq3A = vector.broadcast %broadcast_in_dim3A_27 : vector<4096x1xi32> to vector<4096x64xi32>
    %eq3A_28 = arith.cmpi eq, %iota3A, %eq3A : vector<4096x64xi32>
    %jit3A = arith.constant 0.000000e+00 : f32
    %broadcast_in_dim3A_29 = vector.broadcast %jit3A : f32 to vector<4096x64xf32>
    %select_n3A = arith.select %eq3A_28, %div3A_26, %broadcast_in_dim3A_29 : vector<4096x64xi1>, vector<4096x64xf32>
    %reduce_max3A_30 = arith.constant dense<0xFF800000> : vector<4096xf32>
    %reduce_max3A_31 = vector.multi_reduction <maximumf>, %div3A_26, %reduce_max3A_30 [1] : vector<4096x64xf32> to vector<4096xf32>
    %broadcast_in_dim3A_32 = vector.shape_cast %reduce_max3A_31 : vector<4096xf32> to vector<4096x1xf32>
    %swap3A = arith.constant 0 : index
    %swap3A_33 = arith.constant 0 : index
    %swap3A_34 = vector.load %arg6[%swap3A, %swap3A_33] : memref<4096x1xf32, #tpu.memory_space<vmem>>, vector<4096x1xf32>
    tpu.vector_store %arg6[%swap3A, %swap3A_33], %broadcast_in_dim3A_32 {strides = array<i32>} : memref<4096x1xf32, #tpu.memory_space<vmem>>, vector<4096x1xf32>,
    %swap3A_35 = arith.constant 0 : index
    %swap3A_36 = arith.constant 0 : index
    %swap3A_37 = vector.load %arg7[%swap3A_35, %swap3A_36] : memref<4096x1xi32, #tpu.memory_space<vmem>>, vector<4096x1xi32>
    tpu.vector_store %arg7[%swap3A_35, %swap3A_36], %broadcast_in_dim3A_27 {strides = array<i32>} : memref<4096x1xi32, #tpu.memory_space<vmem>>, vector<4096x1xi32>,
    %reduce_sum3A_38 = arith.constant dense<0.000000e+00> : vector<64xf32>
    %reduce_sum3A_39 = vector.multi_reduction <add>, %select_n3A, %reduce_sum3A_38 [0] : vector<4096x64xf32> to vector<64xf32>
    %broadcast_in_dim3A_40 = vector.shape_cast %reduce_sum3A_39 : vector<64xf32> to vector<1x1x64xf32>
    %swap3A_41 = arith.constant 0 : index
    %swap3A_42 = arith.constant 0 : index
    %swap3A_43 = arith.constant 0 : index
    %swap3A_44 = vector.load %arg8[%swap3A_41, %swap3A_42, %swap3A_43] : memref<1x1x64xf32, #tpu.memory_space<vmem>>, vector<1x1x64xf32>
    tpu.vector_store %arg8[%swap3A_41, %swap3A_42, %swap3A_43], %broadcast_in_dim3A_40 {strides = array<i32>} : memref<1x1x64xf32, #tpu.memory_space<vmem>>, vector<1x1x64xf32>,
    return
  }
  func.func @transform_0(%arg0: i32) -> (i32, i32) {
    %c0_i32 = arith.constant 0 : i32
    %c0_i32_0 = arith.constant 0 : i32
    return %arg0, %c0_i32 : i32, i32
  }
  func.func @transform_1(%arg0: i32) -> (i32, i32) {
    %c0_i32 = arith.constant 0 : i32
    %c0_i32_0 = arith.constant 0 : i32
    %c0_i32_1 = arith.constant 0 : i32
    return %c0_i32, %c0_i32_0 : i32, i32
  }
  func.func @transform_2(%arg0: i32) -> (i32, i32) {
    %c0_i32 = arith.constant 0 : i32
    %c0_i32_0 = arith.constant 0 : i32
    %c0_i32_1 = arith.constant 0 : i32
    return %c0_i32, %c0_i32_0 : i32, i32
  }
  func.func @transform_3(%arg0: i32) -> (i32, i32) {
    %c0_i32 = arith.constant 0 : i32
    %c0_i32_0 = arith.constant 0 : i32
    %c0_i32_1 = arith.constant 0 : i32
    return %c0_i32, %c0_i32_0 : i32, i32
  }
  func.func @transform_4(%arg0: i32) -> (i32, i32) {
    %c0_i32 = arith.constant 0 : i32
    %c0_i32_0 = arith.constant 0 : i32
    %c0_i32_1 = arith.constant 0 : i32
    return %c0_i32, %c0_i32_0 : i32, i32
  }
  func.func @transform_5(%arg0: i32) -> (i32, i32) {
    %c0_i32 = arith.constant 0 : i32
    %c0_i32_0 = arith.constant 0 : i32
    return %arg0, %c0_i32 : i32, i32
  }
  func.func @transform_6(%arg0: i32) -> (i32, i32) {
    %c0_i32 = arith.constant 0 : i32
    %c0_i32_0 = arith.constant 0 : i32
    return %arg0, %c0_i32 : i32, i32
  }
  func.func @transform_7(%arg0: i32) -> (i32, i32, i32) {
    %c0_i32 = arith.constant 0 : i32
    %c0_i32_0 = arith.constant 0 : i32
    %c0_i32_1 = arith.constant 0 : i32
    return %arg0, %c0_i32, %c0_i32_0 : i32, i32, i32
  }
}

</mosaic_0001>

<sc_bundles>
// kernel: kernel.4.cloned.1.call-start
scs
__scs_entry_jumppad:
0x0: {  	(pc) =	sbr.rel $0x88, $3  }
0x1: {  	(tag) =	ssettag $0x0;
	lr =	simm.s32 $0x1  }
0x2: {  	[smem:$0x3F9C] =	sst lr;
	_ =	strace $0xD0000000  }
0x3: {  	_ = 	snop  }
0x4: {  	_ = 	snop  }
0x5: {  	_ = 	snop  }
0x6: {  	_ = 	snop  }
0x7: {  	_ = 	snop  }
__scs_overlays_trampoline_lowered:
0x8: {  	[smem:$0x3FAB] =	sst s0  }
0x9: {  	[smem:$0x3FAC] =	sst s1  }
0xa: {  	[smem:$0x3FAD] =	sst s2  }
0xb: {  	[smem:$0x3FAE] =	sst s3  }
0xc: {  	[smem:$0x3FAF] =	sst s4  }
0xd: {  	[smem:$0x3FB0] =	sst s5  }
0xe: {  	[smem:$0x3FB1] =	sst s6  }
0xf: {  	[smem:$0x3FB2] =	sst s7  }
0x10: {  	[smem:$0x3FB3] =	sst s8  }
0x11: {  	[smem:$0x3FB4] =	sst s9;
	s0 =	simm.s32 @!p0 $0x0  }
0x12: {  	s1 =	sld [smem:$0x3F9A];
	s0 =	simm.s32 @p0 $0x1  }
0x13: {  	[smem:$0x3FB5] =	sst s0;
	s0 =	simm.s32 @!p1 $0x0  }
0x14: {  	s2 =	sld [smem:$0x3F99];
	s0 =	simm.s32 @p1 $0x1  }
0x15: {  	[smem:$0x3FB6] =	sst s0;
	s0 =	simm.s32 @!p2 $0x0  }
0x16: {  	s3 =	sld [smem:$0x3FDB];
	s0 =	simm.s32 @p2 $0x1  }
0x17: {  	s4 =	simm.s32 $0x1BF5;
	[smem:$0x3FB8] =	sst s0  }
0x18: {  	s0 =	sld [smem:$0x3F9B];
	_ =	swait.ge [sflag:s4], $0x0  }
0x19: {  	s7 =	sld [smem:$0x3F9C]  }
0x1a: {  	s8 =	sadd.s32 $0xFFFFE003, lr  }
0x1b: {  	s9 =	sadd.s32 $0xFFFFFEF7, lr;
	s5 =	simm.s32 $0xFFFFFFFF;
	p2 =	slt.u32 s8, $0xFFFFF086  }
0x1c: {  	p1 =	slt.u32 s9, $0xF7A;
	s5 =	simm.s32 @!p2 $0x0  }
0x1d: {  	s5 =	simm.s32 @p1 $0x1;
	p0 =	seq.s32 s7, s2  }
0x1e: {  	s7 =	smul.u32 @!p0 $0xF7A, s2;
	p2 =	seq.s32 @!p0 s5, $0x0  }
0x1f: {  	s9 =	smul.u32 $0xF7A, s1;
	s8 =	simm.s32 @!p0 $0x1BF5;
	p2 =	por !p2, p0  }
0x20: {  	[sflag:s8] =	ssyncset.s32 @!p0 $0xFFFFF086;
	s6 =	sadd.s32 @!p0 s3, s7;
	s7 =	simm.s32 @!p0 $0x108  }
0x21: {  	s3 =	sadd.s32 s3, s9;
	s6 =	sadd.s32 @!p0 $0x88, s6;
	s7 =	simm.s32 @p2 $0x1082  }
0x22: {  	[simem:s7], [sflag:s8] =	dma.local @!p0 [hbm:s6], $0xF7A  }
0x23: {  	s9 =	sor.u32 $0xD0000000, s2;
	s6 =	simm.s32 $0x108;
	_ =	swait.ge @!p0 [sflag:s8], $0x0  }
0x24: {  	s3 =	sadd.s32 $0x88, s3;
	s6 =	simm.s32 @!p1 $0x1082;
	[sflag:s4] =	ssyncset.s32 $0xFFFFF086  }
0x25: {  	[simem:s6], [sflag:s4] =	dma.local [hbm:s3], $0xF7A  }
0x26: {  	[smem:$0x3F9C] =	sst s1;
	(tag) =	ssettag s2;
	_ =	strace s9  }
0x27: {  	s1 =	sld [smem:$0x3FAC]  }
0x28: {  	s2 =	sld [smem:$0x3FAD]  }
0x29: {  	s4 =	sld [smem:$0x3FAF]  }
0x2a: {  	p0 =	seq.s32 s5, $0x0;
	s5 =	sld [smem:$0x3FB0]  }
0x2b: {  	s6 =	sld [smem:$0x3FB1]  }
0x2c: {  	s7 =	sld [smem:$0x3FB2]  }
0x2d: {  	s3 =	simm.s32 $0x108;
	s8 =	sld [smem:$0x3FB3]  }
0x2e: {  	s3 =	simm.s32 @!p0 $0x1082;
	s9 =	sld [smem:$0x3FB4]  }
0x2f: {  	lr =	sadd.s32 s0, s3;
	s0 =	sld [smem:$0x3FAB]  }
0x30: {  	s3 =	sld [smem:$0x3FAE]  }
0x31: {  	[smem:$0x3FB7] =	sst s10  }
0x32: {  	s10 =	sld [smem:$0x3FB5];
	_ =	sdelay $0x3  }
0x33: {  	p0 =	seq.s32 s10, $0x1;
	s10 =	sld [smem:$0x3FB7];
	_ =	sdelay $0x3  }
0x34: {  	[smem:$0x3FB7] =	sst s10  }
0x35: {  	s10 =	sld [smem:$0x3FB6];
	_ =	sdelay $0x3  }
0x36: {  	p1 =	seq.s32 s10, $0x1;
	s10 =	sld [smem:$0x3FB7];
	_ =	sdelay $0x3  }
0x37: {  	[smem:$0x3FB7] =	sst s10  }
0x38: {  	s10 =	sld [smem:$0x3FB8]  }
0x39: {  	_ = 	snop;
	(pc) =	sbr.ind lr, $3  }
0x3a: {  	_ = 	snop  }
0x3b: {  	_ = 	snop  }
0x3c: {  	p2 =	seq.s32 s10, $0x1;
	s10 =	sld [smem:$0x3FB7]  }
0x3d: {  	_ =	shalt  }
0x3e: {  	_ =	shalt  }
0x3f: {  	_ =	shalt  }
0x40: {  	_ =	shalt  }
0x41: {  	_ =	shalt  }
0x42: {  	_ =	shalt  }
0x43: {  	_ =	shalt  }
0x44: {  	_ =	shalt  }
0x45: {  	_ =	shalt  }
0x46: {  	_ =	shalt  }
0x47: {  	_ =	shalt  }
0x48: {  	_ =	shalt  }
0x49: {  	_ =	shalt  }
0x4a: {  	_ =	shalt  }
0x4b: {  	_ =	shalt  }
0x4c: {  	_ =	shalt  }
0x4d: {  	_ =	shalt  }
0x4e: {  	_ =	shalt  }
0x4f: {  	_ =	shalt  }
0x50: {  	_ =	shalt  }
0x51: {  	_ =	shalt  }
0x52: {  	_ =	shalt  }
0x53: {  	_ =	shalt  }
0x54: {  	_ =	shalt  }
0x55: {  	_ =	shalt  }
0x56: {  	_ =	shalt  }
0x57: {  	_ =	shalt  }
0x58: {  	_ =	shalt  }
0x59: {  	_ =	shalt  }
0x5a: {  	_ =	shalt  }
0x5b: {  	_ =	shalt  }
0x5c: {  	_ =	shalt  }
0x5d: {  	_ =	shalt  }
0x5e: {  	_ =	shalt  }
0x5f: {  	_ =	shalt  }
0x60: {  	_ =	shalt  }
0x61: {  	_ =	shalt  }
0x62: {  	_ =	shalt  }
0x63: {  	_ =	shalt  }
0x64: {  	_ =	shalt  }
0x65: {  	_ =	shalt  }
0x66: {  	_ =	shalt  }
0x67: {  	_ =	shalt  }
0x68: {  	_ =	shalt  }
0x69: {  	_ =	shalt  }
0x6a: {  	_ =	shalt  }
0x6b: {  	_ =	shalt  }
0x6c: {  	_ =	shalt  }
0x6d: {  	_ =	shalt  }
0x6e: {  	_ =	shalt  }
0x6f: {  	_ =	shalt  }
0x70: {  	_ =	shalt  }
0x71: {  	_ =	shalt  }
0x72: {  	_ =	shalt  }
0x73: {  	_ =	shalt  }
0x74: {  	_ =	shalt  }
0x75: {  	_ =	shalt  }
0x76: {  	_ =	shalt  }
0x77: {  	_ =	shalt  }
0x78: {  	_ =	shalt  }
0x79: {  	_ =	shalt  }
0x7a: {  	_ =	shalt  }
0x7b: {  	_ =	shalt  }
0x7c: {  	_ =	shalt  }
0x7d: {  	_ =	shalt  }
0x7e: {  	_ =	shalt  }
0x7f: {  	_ =	shalt  }
0x80: {  	_ =	shalt  }
0x81: {  	_ =	shalt  }
0x82: {  	_ =	shalt  }
0x83: {  	_ =	shalt  }
0x84: {  	_ =	shalt  }
0x85: {  	_ =	shalt  }
0x86: {  	_ =	shalt  }
0x87: {  	_ =	shalt  }
.Lfunc_end0:
.L_simem_size_0:
called_computation_lowered:
.L_overlay_start_0:
0x88: {  	s2 =	sld [smem:$0x3FD9]  }
0x89: {  	s3 =	sld [smem:$0x3FFE];
	_ =	sdelay $0x1  }
0x8a: {  	s1 =	srdreg.scid  }
0x8b: {  	s0 =	sand.u32 $0x1, s1  }
0x8c: {  	s17 =	sshll.u32 s0, $0xA;
	s2 =	sadd.s32 s3, s2  }
0x8d: {  	s2 =	sadd.s32 s2, s17  }
0x8e: {  	[smem:$0x3FC3] =	sst s2  }
0x8f: {  	_ = 	snop  }
0x90: {  	s2 =	sld [smem:$0x3FD0];
	(tm) =	ssettm $0x1  }
0x91: {  	s18 =	sld [smem:$0x3FFB];
	_ =	sdelay $0x3  }
0x92: {  	_ =	strace s18  }
0x93: {  	s3 =	sld [smem:$0x3FFC];
	_ =	sdelay $0x3  }
0x94: {  	_ =	strace s3  }
0x95: {  	s3 =	sld [smem:$0x3FFD];
	_ =	sdelay $0x3  }
0x96: {  	_ =	strace s3  }
0x97: {  	_ =	strace $0x8FFFFFFF  }
0x98: {  	s19 =	sld [smem:$0x3FDB];
	_ =	sdelay $0x1  }
0x99: {  	s4 =	simm.s32 $_scs_section_size  }
0x9a: {  	s5 =	simm.s32 $_size__tile_overlayer_lowered;
	s6 =	simm.s32 $_tile_overlayer_lowered  }
0x9b: {  	s22 =	simm.s32 $0x1BFF;
	s21 =	sshll.u32 s6, $0x1;
	s3 =	sadd.s32 s4, s19  }
0x9c: {  	s7 =	simm.s32 $0x0;
	s20 =	sshll.u32 s5, $0x1;
	s5 =	sadd.s32 s21, s3  }
0x9d: {  	[timem:s7], [sflag:s22] =	dma.local [hbm:s5], s20  }
0x9e: {  	_ =	swait.ge [sflag:s22], s20  }
0x9f: {  	s4 =	ssub.s32 $0x0, s20;
	[sflag:s22] =	ssyncset.done $0x0  }
0xa0: {  	[sflag:s22] =	ssyncadd.s32 s4;
	_ =	sdelay $0x1  }
0xa1: {  	s23 =	simm.s32 $0x1B8B  }
0xa2: {  	_ =	swait.ge [sflag:s23], $0x1  }
0xa3: {  	[sflag:s23] =	ssyncset.done $0x0  }
0xa4: {  	s25 =	simm.s32 $0x1B8E;
	s24 =	sld [smem:$0x3FFE];
	[sflag:s23] =	ssyncadd.s32 $0xFFFFFFFF  }
0xa5: {  	s26 =	simm.s32 $execute0_lowered;
	[smem:$0x3FD2] =	sst s25  }
0xa6: {  	s5 =	sshll.u32 s26, $0x1;
	_ =	strace $0x80000046;
	[dreg:$0x1] =	wrdreg $0xFFFFFFFF  }
0xa7: {  	s28 =	simm.s32 $_size_execute0_lowered;
	s3 =	sadd.s32 s3, s5;
	[dreg:$0x0] =	wrdreg $0x0  }
0xa8: {  	s5 =	sshll.u32 s28, $0x1;
	[dreg:$0x2] =	wrdreg s3  }
0xa9: {  	[dreg:$0x3] =	wrdreg s5  }
0xaa: {  	[dreg:$0x4] =	wrdreg $0xC0  }
0xab: {  	_ =	task [dreg:s7], $0x5FFFF  }
0xac: {  	[dreg:$0x1] =	wrdreg $0xFFFFFFFF  }
0xad: {  	[dreg:$0x0] =	wrdreg $0x60  }
0xae: {  	[dreg:$0x2] =	wrdreg s2  }
0xaf: {  	[dreg:$0x3] =	wrdreg s24  }
0xb0: {  	[dreg:$0x4] =	wrdreg $0x9  }
0xb1: {  	_ =	task.clear_ibuf [dreg:s7], $0x5FFFF;
	_ =	strace $0x90000046  }
0xb2: {  	s29 =	simm.s32 $0x9;
	_ =	strace $0x80000048  }
0xb3: {  	_ =	swait.ge [sflag:s29], $0x1  }
0xb4: {  	[sflag:s29] =	ssyncadd.s32 $0xFFFFFFFF  }
0xb5: {  	_ =	strace $0x90000048  }
0xb6: {  	_ =	sfence  }
0xb7: {  	s30 =	sld [smem:$0x0];
	_ =	sdelay $0x2  }
0xb8: {  	s31 =	sshll.u32 s1, $0xD;
	s1 =	sshrl.u32 s1, $0x2  }
0xb9: {  	s3 =	sand.u32 $0x4000, s31;
	s1 =	sadd.s32 s1, s30  }
0xba: {  	s0 =	sor.u32 s3, s0;
	s1 =	sshll.u32 s1, $0x11  }
0xbb: {  	s0 =	sor.u32 s1, s0  }
0xbc: {  	s0 =	sadd.s32 $0x8F2B, s0  }
0xbd: {  	[sflag:s0] =	ssyncadd.remote.s32 $0x1  }
0xbe: {  	_ =	sfence.sel $0xFFFF  }
0xbf: {  	[dreg:$0x0] =	wrdreg $0xFFFFFFFF;
	(pc) =	sbr.abs _section_cstart, $3  }
0xc0: {  	[dreg:$0x1] =	wrdreg $0xFFFFFFFF  }
0xc1: {  	_ =	task.clear_ibuf [dreg:s7], $0x2FFFF;
	_ =	strace $0x9FFFFFFF  }
0xc2: {  	(tm) =	ssettm $0x7FFFFFFF  }
0xc3: {  	_ =	shalt  }
tec
execute0_lowered:
.L_overlay_start_1:
0x0: {  	(tag) =	ssettag $0x1  }
0x1: {  	s5 =	rddreg [dreg:$0x0]  }
0x2: {  	s4 =	rddreg [dreg:$0x1];
	s2 =	srdreg.scid  }
0x3: {  	s0 =	rddreg [dreg:$0x2];
	s1 =	stileid.u32  }
0x4: {  	s11 =	simm.s32 $0x1;
	s12 =	simm.s32 $0x280;
	s13 =	simm.s32 $0x680  }
0x5: {  	v0 =	vlaneseq.u32;
	s14 =	simm.s32 $0x200;
	s15 =	simm.s32 $0xA80;
	s16 =	simm.s32 $0x0  }
0x6: {  	s3 =	sand.u32 $0x1, s2;
	s2 =	simm.s32 $0x0;
	s6 =	sshll.u32 s1, $0xB;
	v0 =	vmul.u32 $0x80, v0  }
0x7: {  	v1 =	vimm.f32 $0.0e+00;
	s7 =	sshll.u32 s3, $0xA;
	[smem:$0x7FF] =	sst s2;
	s8 =	ssub.s32 $0x2, s3  }
0x8: {  	s3 =	sadd.s32 $0x80000, s4;
	s6 =	sor.u32 s7, s6;
	_ =	strace $0x80000047;
	v2 =	vor.u32 $0x800, v0;
	v3 =	vor.u32 $0x1000, v0;
	v4 =	vor.u32 $0x1800, v0  }
0x9: {  	s10 =	sshrl.u32 s8, $0x1;
	v5 =	vor.u32 $0x2000, v0;
	v6 =	vor.u32 $0x2800, v0;
	v7 =	vor.u32 $0x3000, v0;
	s7 =	sshrl.u32 s6, $0x3;
	s6 =	sshll.u32 s6, $0x4  }
0xa: {  	v8 =	vor.u32 $0x3800, v0;
	v9 =	vor.u32 $0x4000, v0;
	v10 =	vor.u32 $0x4800, v0;
	s10 =	ssub.s32 s8, s10;
	s9 =	sadd.s32 s7, s4;
	s4 =	sadd.s32 s4, s6  }
0xb: {  	v11 =	vor.u32 $0x5000, v0;
	v12 =	vor.u32 $0x5800, v0;
	v13 =	vor.u32 $0x6000, v0;
	s5 =	sadd.s32 s5, s7;
	s10 =	smax.u32 s10, $0x1;
	s6 =	sadd.s32 $0x80200, s9  }
0xc: {  	v14 =	vor.u32 $0x6800, v0;
	v15 =	vor.u32 $0x7000, v0;
	v16 =	vor.u32 $0x7800, v0;
	s7 =	sadd.s32 $0x1000, s4;
	s8 =	sadd.s32 $0x2000, s4;
	s9 =	sadd.s32 $0x3000, s4  }
.LBB2_1:
0xd: {  	[tilespmem:s2], [sflag:$0x1] =	stream.linear.gather [hbm4b:s3+s2], $0x200, $0x38;
	[tilespmem:$0x8A80] =	vst v63  }
0xe: {  	_ =	swait.ge [sflag:s11], $0x200  }
0xf: {  	[sflag:s11] =	ssyncset.done $0x0  }
0x10: {  	[sflag:s11] =	ssyncadd.s32 $0xFFFFFE00  }
0x11: {  	[tilespmem:s12], [sflag:$0x1] =	stream.linear.gather [hbm4b:s5+s2], $0x400, $0x38;
	[tilespmem:$0x8A80] =	vst v63  }
0x12: {  	_ =	swait.ge [sflag:s11], $0x400  }
0x13: {  	[sflag:s11] =	ssyncset.done $0x0  }
0x14: {  	[sflag:s11] =	ssyncadd.s32 $0xFFFFFC00  }
0x15: {  	[tilespmem:s13], [sflag:$0x1] =	stream.linear.gather [hbm4b:s6+s2], $0x400, $0x38;
	[tilespmem:$0x8A80] =	vst v63  }
0x16: {  	_ =	swait.ge [sflag:s11], $0x400  }
0x17: {  	[sflag:s11] =	ssyncset.done $0x0  }
0x18: {  	[sflag:s11] =	ssyncadd.s32 $0xFFFFFC00  }
0x19: {  	v17 =	vld [tilespmem:$0x0]  }
0x1a: {  	v18 =	vld [tilespmem:$0x40]  }
0x1b: {  	v19 =	vld [tilespmem:$0x80]  }
0x1c: {  	v20 =	vld [tilespmem:$0xC0]  }
0x1d: {  	v21 =	vld [tilespmem:$0x100]  }
0x1e: {  	v22 =	vld [tilespmem:$0x140]  }
0x1f: {  	v23 =	vld [tilespmem:$0x180]  }
0x20: {  	v24 =	vld [tilespmem:$0x1C0]  }
0x21: {  	v25 =	vld [tilespmem:$0x10]  }
0x22: {  	v26 =	vld [tilespmem:$0x50]  }
0x23: {  	v27 =	vld [tilespmem:$0x90]  }
0x24: {  	v28 =	vld [tilespmem:$0xD0]  }
0x25: {  	v29 =	vld [tilespmem:$0x110]  }
0x26: {  	v30 =	vld [tilespmem:$0x150]  }
0x27: {  	v31 =	vld [tilespmem:$0x190]  }
0x28: {  	v32 =	vld [tilespmem:$0x1D0]  }
0x29: {  	v33 =	vld [tilespmem:$0x20]  }
0x2a: {  	v34 =	vld [tilespmem:$0x30]  }
0x2b: {  	v35 =	vld [tilespmem:$0x60]  }
0x2c: {  	v36 =	vld [tilespmem:$0x70];
	v17 =	vadd.f32 $9.999999740e-05, v17  }
0x2d: {  	v37 =	vld [tilespmem:$0xA0];
	v25 =	vadd.f32 $9.999999740e-05, v25  }
0x2e: {  	v52 =	vld [tilespmem:$0xB0];
	v17 =	vadd.f32 v18, v17;
	v18 =	vadd.f32 $9.999999740e-05, v33  }
0x2f: {  	v53 =	vld [tilespmem:$0xE0];
	v34 =	vadd.f32 $9.999999740e-05, v34;
	v25 =	vadd.f32 v26, v25  }
0x30: {  	v17 =	vadd.f32 v19, v17;
	v18 =	vadd.f32 v35, v18;
	v19 =	vld [tilespmem:$0xF0]  }
0x31: {  	v55 =	vld [tilespmem:$0x120];
	v54 =	vadd.f32 v36, v34;
	v25 =	vadd.f32 v27, v25  }
0x32: {  	v56 =	vld [tilespmem:$0x130];
	v17 =	vadd.f32 v20, v17;
	v18 =	vadd.f32 v37, v18  }
0x33: {  	v57 =	vld [tilespmem:$0x160];
	v27 =	vadd.f32 v52, v54;
	v25 =	vadd.f32 v28, v25  }
0x34: {  	v58 =	vld [tilespmem:$0x170];
	v17 =	vadd.f32 v21, v17;
	v18 =	vadd.f32 v53, v18  }
0x35: {  	v59 =	vld [tilespmem:$0x1A0];
	v25 =	vadd.f32 v29, v25;
	v19 =	vadd.f32 v19, v27  }
0x36: {  	v60 =	vld [tilespmem:$0x1B0];
	v17 =	vadd.f32 v22, v17;
	v18 =	vadd.f32 v55, v18  }
0x37: {  	v61 =	vld [tilespmem:$0x1E0];
	v25 =	vadd.f32 v30, v25;
	v19 =	vadd.f32 v56, v19  }
0x38: {  	v62 =	vld [tilespmem:$0x1F0];
	v17 =	vadd.f32 v23, v17;
	v18 =	vadd.f32 v57, v18  }
0x39: {  	v25 =	vadd.f32 v31, v25;
	v19 =	vadd.f32 v58, v19  }
0x3a: {  	v17 =	vadd.f32 v24, v17;
	v18 =	vadd.f32 v59, v18  }
0x3b: {  	v63 =	vadd.f32 v32, v25;
	v19 =	vadd.f32 v60, v19  }
0x3c: {  	[tilespmem:$0x200] =	vst v17;
	v17 =	vadd.f32 v61, v18  }
0x3d: {  	[tilespmem:$0x210] =	vst v63;
	v18 =	vadd.f32 v62, v19  }
0x3e: {  	[tilespmem:$0x220] =	vst v17  }
0x3f: {  	s18 =	simm.s32 $0x200;
	s17 =	simm.s32 $0x0;
	[tilespmem:$0x230] =	vst v18  }
.LBB2_2:
0x40: {  	p0 =	sne.s32 s18, $0x1FE00;
	[tilespmem:s17+$0xAB0] =	vst v1;
	s19 =	smov.u32 s18;
	s18 =	sadd.s32 $0x200, s18  }
.Ltmp0:
0x41: {  	[tilespmem:s17+$0xAA0] =	vst v1;
	(pc) =	sbr.rel @p0 .LBB2_2-.Ltmp0, $3  }
0x42: {  	[tilespmem:s17+$0xA80] =	vst v1  }
0x43: {  	[tilespmem:s17+$0xA90] =	vst v1;
	_ =	sdelay $0x1  }
0x44: {  	s17 =	sshra.s32 s19, $0x2  }
0x45: {  	[tilespmem:s17+$0xAB0] =	vst v1  }
0x46: {  	[tilespmem:s17+$0xAA0] =	vst v1  }
0x47: {  	[tilespmem:s17+$0xA80] =	vst v1  }
0x48: {  	[tilespmem:s17+$0xA90] =	vst v1  }
0x49: {  	v17 =	vld [tilespmem:$0x680];
	_ =	sdelay $0x7  }
0x4a: {  	v18 =	vld.idx.msk [tilespmem:v17+s14+$0x0], $0xffff;
	_ =	sdelay $0x4  }
0x4b: {  	(erf) = vrcp.f32 v18;
	_ =	sdelay $0x4  }
0x4c: {  	v18 =	vld [tilespmem:$0x280];
	_ =	sdelay $0x3  }
0x4d: {  	v17 =	vadd.s32 v0, v17;
	v19 =	vpop (erf)  }
0x4e: {  	v18 =	vmul.f32 v19, v18;
	_ =	sdelay $0x1  }
0x4f: {  	v18 =	vmul.f32 $3.276800000e+04, v18;
	_ =	sdelay $0x1  }
0x50: {  	[tilespmem:v17+s15+$0x0] =	vst.idx.msk $0xffff, v18  }
0x51: {  	v17 =	vld [tilespmem:$0x690];
	_ =	sdelay $0x7  }
0x52: {  	v18 =	vld.idx.msk [tilespmem:v17+s14+$0x0], $0xffff;
	_ =	sdelay $0x4  }
0x53: {  	(erf) = vrcp.f32 v18;
	_ =	sdelay $0x4  }
0x54: {  	v18 =	vld [tilespmem:$0x290];
	_ =	sdelay $0x3  }
0x55: {  	v17 =	vadd.s32 v2, v17;
	v19 =	vpop (erf)  }
0x56: {  	v18 =	vmul.f32 v19, v18;
	_ =	sdelay $0x1  }
0x57: {  	v18 =	vmul.f32 $3.276800000e+04, v18;
	_ =	sdelay $0x1  }
0x58: {  	[tilespmem:v17+s15+$0x0] =	vst.idx.msk $0xffff, v18  }
0x59: {  	v17 =	vld [tilespmem:$0x6A0];
	_ =	sdelay $0x7  }
0x5a: {  	v18 =	vld.idx.msk [tilespmem:v17+s14+$0x0], $0xffff;
	_ =	sdelay $0x4  }
0x5b: {  	(erf) = vrcp.f32 v18;
	_ =	sdelay $0x4  }
0x5c: {  	v18 =	vld [tilespmem:$0x2A0];
	_ =	sdelay $0x3  }
0x5d: {  	v17 =	vadd.s32 v3, v17;
	v19 =	vpop (erf)  }
0x5e: {  	v18 =	vmul.f32 v19, v18;
	_ =	sdelay $0x1  }
0x5f: {  	v18 =	vmul.f32 $3.276800000e+04, v18;
	_ =	sdelay $0x1  }
0x60: {  	[tilespmem:v17+s15+$0x0] =	vst.idx.msk $0xffff, v18  }
0x61: {  	v17 =	vld [tilespmem:$0x6B0];
	_ =	sdelay $0x7  }
0x62: {  	v18 =	vld.idx.msk [tilespmem:v17+s14+$0x0], $0xffff;
	_ =	sdelay $0x4  }
0x63: {  	(erf) = vrcp.f32 v18;
	_ =	sdelay $0x4  }
0x64: {  	v18 =	vld [tilespmem:$0x2B0];
	_ =	sdelay $0x3  }
0x65: {  	v17 =	vadd.s32 v4, v17;
	v19 =	vpop (erf)  }
0x66: {  	v18 =	vmul.f32 v19, v18;
	_ =	sdelay $0x1  }
0x67: {  	v18 =	vmul.f32 $3.276800000e+04, v18;
	_ =	sdelay $0x1  }
0x68: {  	[tilespmem:v17+s15+$0x0] =	vst.idx.msk $0xffff, v18  }
0x69: {  	v17 =	vld [tilespmem:$0x6C0];
	_ =	sdelay $0x7  }
0x6a: {  	v18 =	vld.idx.msk [tilespmem:v17+s14+$0x0], $0xffff;
	_ =	sdelay $0x4  }
0x6b: {  	(erf) = vrcp.f32 v18;
	_ =	sdelay $0x4  }
0x6c: {  	v18 =	vld [tilespmem:$0x2C0];
	_ =	sdelay $0x3  }
0x6d: {  	v17 =	vadd.s32 v5, v17;
	v19 =	vpop (erf)  }
0x6e: {  	v18 =	vmul.f32 v19, v18;
	_ =	sdelay $0x1  }
0x6f: {  	v18 =	vmul.f32 $3.276800000e+04, v18;
	_ =	sdelay $0x1  }
0x70: {  	[tilespmem:v17+s15+$0x0] =	vst.idx.msk $0xffff, v18  }
0x71: {  	v17 =	vld [tilespmem:$0x6D0];
	_ =	sdelay $0x7  }
0x72: {  	v18 =	vld.idx.msk [tilespmem:v17+s14+$0x0], $0xffff;
	_ =	sdelay $0x4  }
0x73: {  	(erf) = vrcp.f32 v18;
	_ =	sdelay $0x4  }
0x74: {  	v18 =	vld [tilespmem:$0x2D0];
	_ =	sdelay $0x3  }
0x75: {  	v17 =	vadd.s32 v6, v17;
	v19 =	vpop (erf)  }
0x76: {  	v18 =	vmul.f32 v19, v18;
	_ =	sdelay $0x1  }
0x77: {  	v18 =	vmul.f32 $3.276800000e+04, v18;
	_ =	sdelay $0x1  }
0x78: {  	[tilespmem:v17+s15+$0x0] =	vst.idx.msk $0xffff, v18  }
0x79: {  	v17 =	vld [tilespmem:$0x6E0];
	_ =	sdelay $0x7  }
0x7a: {  	v18 =	vld.idx.msk [tilespmem:v17+s14+$0x0], $0xffff;
	_ =	sdelay $0x4  }
0x7b: {  	(erf) = vrcp.f32 v18;
	_ =	sdelay $0x4  }
0x7c: {  	v18 =	vld [tilespmem:$0x2E0];
	_ =	sdelay $0x3  }
0x7d: {  	v17 =	vadd.s32 v7, v17;
	v19 =	vpop (erf)  }
0x7e: {  	v18 =	vmul.f32 v19, v18;
	_ =	sdelay $0x1  }
0x7f: {  	v18 =	vmul.f32 $3.276800000e+04, v18;
	_ =	sdelay $0x1  }
0x80: {  	[tilespmem:v17+s15+$0x0] =	vst.idx.msk $0xffff, v18  }
0x81: {  	v17 =	vld [tilespmem:$0x6F0];
	_ =	sdelay $0x7  }
0x82: {  	v18 =	vld.idx.msk [tilespmem:v17+s14+$0x0], $0xffff;
	_ =	sdelay $0x4  }
0x83: {  	(erf) = vrcp.f32 v18;
	_ =	sdelay $0x4  }
0x84: {  	v18 =	vld [tilespmem:$0x2F0];
	_ =	sdelay $0x3  }
0x85: {  	v17 =	vadd.s32 v8, v17;
	v19 =	vpop (erf)  }
0x86: {  	v18 =	vmul.f32 v19, v18;
	_ =	sdelay $0x1  }
0x87: {  	v18 =	vmul.f32 $3.276800000e+04, v18;
	_ =	sdelay $0x1  }
0x88: {  	[tilespmem:v17+s15+$0x0] =	vst.idx.msk $0xffff, v18  }
0x89: {  	v17 =	vld [tilespmem:$0x700];
	_ =	sdelay $0x7  }
0x8a: {  	v18 =	vld.idx.msk [tilespmem:v17+s14+$0x0], $0xffff;
	_ =	sdelay $0x4  }
0x8b: {  	(erf) = vrcp.f32 v18;
	_ =	sdelay $0x4  }
0x8c: {  	v18 =	vld [tilespmem:$0x300];
	_ =	sdelay $0x3  }
0x8d: {  	v17 =	vadd.s32 v9, v17;
	v19 =	vpop (erf)  }
0x8e: {  	v18 =	vmul.f32 v19, v18;
	_ =	sdelay $0x1  }
0x8f: {  	v18 =	vmul.f32 $3.276800000e+04, v18;
	_ =	sdelay $0x1  }
0x90: {  	[tilespmem:v17+s15+$0x0] =	vst.idx.msk $0xffff, v18  }
0x91: {  	v17 =	vld [tilespmem:$0x710];
	_ =	sdelay $0x7  }
0x92: {  	v18 =	vld.idx.msk [tilespmem:v17+s14+$0x0], $0xffff;
	_ =	sdelay $0x4  }
0x93: {  	(erf) = vrcp.f32 v18;
	_ =	sdelay $0x4  }
0x94: {  	v18 =	vld [tilespmem:$0x310];
	_ =	sdelay $0x3  }
0x95: {  	v17 =	vadd.s32 v10, v17;
	v19 =	vpop (erf)  }
0x96: {  	v18 =	vmul.f32 v19, v18;
	_ =	sdelay $0x1  }
0x97: {  	v18 =	vmul.f32 $3.276800000e+04, v18;
	_ =	sdelay $0x1  }
0x98: {  	[tilespmem:v17+s15+$0x0] =	vst.idx.msk $0xffff, v18  }
0x99: {  	v17 =	vld [tilespmem:$0x720];
	_ =	sdelay $0x7  }
0x9a: {  	v18 =	vld.idx.msk [tilespmem:v17+s14+$0x0], $0xffff;
	_ =	sdelay $0x4  }
0x9b: {  	(erf) = vrcp.f32 v18;
	_ =	sdelay $0x4  }
0x9c: {  	v18 =	vld [tilespmem:$0x320];
	_ =	sdelay $0x3  }
0x9d: {  	v17 =	vadd.s32 v11, v17;
	v19 =	vpop (erf)  }
0x9e: {  	v18 =	vmul.f32 v19, v18;
	_ =	sdelay $0x1  }
0x9f: {  	v18 =	vmul.f32 $3.276800000e+04, v18;
	_ =	sdelay $0x1  }
0xa0: {  	[tilespmem:v17+s15+$0x0] =	vst.idx.msk $0xffff, v18  }
0xa1: {  	v17 =	vld [tilespmem:$0x730];
	_ =	sdelay $0x7  }
0xa2: {  	v18 =	vld.idx.msk [tilespmem:v17+s14+$0x0], $0xffff;
	_ =	sdelay $0x4  }
0xa3: {  	(erf) = vrcp.f32 v18;
	_ =	sdelay $0x4  }
0xa4: {  	v18 =	vld [tilespmem:$0x330];
	_ =	sdelay $0x3  }
0xa5: {  	v17 =	vadd.s32 v12, v17;
	v19 =	vpop (erf)  }
0xa6: {  	v18 =	vmul.f32 v19, v18;
	_ =	sdelay $0x1  }
0xa7: {  	v18 =	vmul.f32 $3.276800000e+04, v18;
	_ =	sdelay $0x1  }
0xa8: {  	[tilespmem:v17+s15+$0x0] =	vst.idx.msk $0xffff, v18  }
0xa9: {  	v17 =	vld [tilespmem:$0x740];
	_ =	sdelay $0x7  }
0xaa: {  	v18 =	vld.idx.msk [tilespmem:v17+s14+$0x0], $0xffff;
	_ =	sdelay $0x4  }
0xab: {  	(erf) = vrcp.f32 v18;
	_ =	sdelay $0x4  }
0xac: {  	v18 =	vld [tilespmem:$0x340];
	_ =	sdelay $0x3  }
0xad: {  	v17 =	vadd.s32 v13, v17;
	v19 =	vpop (erf)  }
0xae: {  	v18 =	vmul.f32 v19, v18;
	_ =	sdelay $0x1  }
0xaf: {  	v18 =	vmul.f32 $3.276800000e+04, v18;
	_ =	sdelay $0x1  }
0xb0: {  	[tilespmem:v17+s15+$0x0] =	vst.idx.msk $0xffff, v18  }
0xb1: {  	v17 =	vld [tilespmem:$0x750];
	_ =	sdelay $0x7  }
0xb2: {  	v18 =	vld.idx.msk [tilespmem:v17+s14+$0x0], $0xffff;
	_ =	sdelay $0x4  }
0xb3: {  	(erf) = vrcp.f32 v18;
	_ =	sdelay $0x4  }
0xb4: {  	v18 =	vld [tilespmem:$0x350];
	_ =	sdelay $0x3  }
0xb5: {  	v17 =	vadd.s32 v14, v17;
	v19 =	vpop (erf)  }
0xb6: {  	v18 =	vmul.f32 v19, v18;
	_ =	sdelay $0x1  }
0xb7: {  	v18 =	vmul.f32 $3.276800000e+04, v18;
	_ =	sdelay $0x1  }
0xb8: {  	[tilespmem:v17+s15+$0x0] =	vst.idx.msk $0xffff, v18  }
0xb9: {  	v17 =	vld [tilespmem:$0x760];
	_ =	sdelay $0x7  }
0xba: {  	v18 =	vld.idx.msk [tilespmem:v17+s14+$0x0], $0xffff;
	_ =	sdelay $0x4  }
0xbb: {  	(erf) = vrcp.f32 v18;
	_ =	sdelay $0x4  }
0xbc: {  	v18 =	vld [tilespmem:$0x360];
	_ =	sdelay $0x3  }
0xbd: {  	v17 =	vadd.s32 v15, v17;
	v19 =	vpop (erf)  }
0xbe: {  	v18 =	vmul.f32 v19, v18;
	_ =	sdelay $0x1  }
0xbf: {  	v18 =	vmul.f32 $3.276800000e+04, v18;
	_ =	sdelay $0x1  }
0xc0: {  	[tilespmem:v17+s15+$0x0] =	vst.idx.msk $0xffff, v18  }
0xc1: {  	v17 =	vld [tilespmem:$0x770];
	_ =	sdelay $0x7  }
0xc2: {  	v18 =	vld.idx.msk [tilespmem:v17+s14+$0x0], $0xffff;
	_ =	sdelay $0x4  }
0xc3: {  	(erf) = vrcp.f32 v18;
	_ =	sdelay $0x4  }
0xc4: {  	v18 =	vld [tilespmem:$0x370];
	_ =	sdelay $0x3  }
0xc5: {  	v17 =	vadd.s32 v16, v17;
	v19 =	vpop (erf)  }
0xc6: {  	v18 =	vmul.f32 v19, v18;
	_ =	sdelay $0x1  }
0xc7: {  	v18 =	vmul.f32 $3.276800000e+04, v18;
	_ =	sdelay $0x1  }
0xc8: {  	s31 =	simm.s32 $0x0;
	[tilespmem:v17+s15+$0x0] =	vst.idx.msk $0xffff, v18  }
0xc9: {  	[hbm4b:s4+s31] =	stream.linear.scatter [tilespmem:s15], [sflag:$0x1], $0x8000, $0x38;
	[tilespmem:$0x8A80] =	vst v63  }
0xca: {  	_ =	swait.ge [sflag:s11], $0x8000  }
0xcb: {  	[sflag:s11] =	ssyncset.done $0x0  }
0xcc: {  	s18 =	simm.s32 $0x200;
	s17 =	simm.s32 $0x0;
	[sflag:s11] =	ssyncadd.s32 $0xFFFF8000  }
.LBB2_4:
0xcd: {  	p0 =	sne.s32 s18, $0x1FE00;
	[tilespmem:s17+$0xAB0] =	vst v1;
	s19 =	smov.u32 s18;
	s18 =	sadd.s32 $0x200, s18  }
.Ltmp1:
0xce: {  	[tilespmem:s17+$0xAA0] =	vst v1;
	(pc) =	sbr.rel @p0 .LBB2_4-.Ltmp1, $3  }
0xcf: {  	[tilespmem:s17+$0xA80] =	vst v1  }
0xd0: {  	[tilespmem:s17+$0xA90] =	vst v1;
	_ =	sdelay $0x1  }
0xd1: {  	s17 =	sshra.s32 s19, $0x2  }
0xd2: {  	[tilespmem:s17+$0xAB0] =	vst v1  }
0xd3: {  	[tilespmem:s17+$0xAA0] =	vst v1  }
0xd4: {  	[tilespmem:s17+$0xA80] =	vst v1  }
0xd5: {  	[tilespmem:s17+$0xA90] =	vst v1  }
0xd6: {  	v17 =	vld [tilespmem:$0x780];
	_ =	sdelay $0x7  }
0xd7: {  	v18 =	vld.idx.msk [tilespmem:v17+s14+$0x0], $0xffff;
	_ =	sdelay $0x4  }
0xd8: {  	(erf) = vrcp.f32 v18;
	_ =	sdelay $0x4  }
0xd9: {  	v18 =	vld [tilespmem:$0x380];
	_ =	sdelay $0x3  }
0xda: {  	v17 =	vadd.s32 v0, v17;
	v19 =	vpop (erf)  }
0xdb: {  	v18 =	vmul.f32 v19, v18;
	_ =	sdelay $0x1  }
0xdc: {  	v18 =	vmul.f32 $3.276800000e+04, v18;
	_ =	sdelay $0x1  }
0xdd: {  	[tilespmem:v17+s15+$0x0] =	vst.idx.msk $0xffff, v18  }
0xde: {  	v17 =	vld [tilespmem:$0x790];
	_ =	sdelay $0x7  }
0xdf: {  	v18 =	vld.idx.msk [tilespmem:v17+s14+$0x0], $0xffff;
	_ =	sdelay $0x4  }
0xe0: {  	(erf) = vrcp.f32 v18;
	_ =	sdelay $0x4  }
0xe1: {  	v18 =	vld [tilespmem:$0x390];
	_ =	sdelay $0x3  }
0xe2: {  	v17 =	vadd.s32 v2, v17;
	v19 =	vpop (erf)  }
0xe3: {  	v18 =	vmul.f32 v19, v18;
	_ =	sdelay $0x1  }
0xe4: {  	v18 =	vmul.f32 $3.276800000e+04, v18;
	_ =	sdelay $0x1  }
0xe5: {  	[tilespmem:v17+s15+$0x0] =	vst.idx.msk $0xffff, v18  }
0xe6: {  	v17 =	vld [tilespmem:$0x7A0];
	_ =	sdelay $0x7  }
0xe7: {  	v18 =	vld.idx.msk [tilespmem:v17+s14+$0x0], $0xffff;
	_ =	sdelay $0x4  }
0xe8: {  	(erf) = vrcp.f32 v18;
	_ =	sdelay $0x4  }
0xe9: {  	v18 =	vld [tilespmem:$0x3A0];
	_ =	sdelay $0x3  }
0xea: {  	v17 =	vadd.s32 v3, v17;
	v19 =	vpop (erf)  }
0xeb: {  	v18 =	vmul.f32 v19, v18;
	_ =	sdelay $0x1  }
0xec: {  	v18 =	vmul.f32 $3.276800000e+04, v18;
	_ =	sdelay $0x1  }
0xed: {  	[tilespmem:v17+s15+$0x0] =	vst.idx.msk $0xffff, v18  }
0xee: {  	v17 =	vld [tilespmem:$0x7B0];
	_ =	sdelay $0x7  }
0xef: {  	v18 =	vld.idx.msk [tilespmem:v17+s14+$0x0], $0xffff;
	_ =	sdelay $0x4  }
0xf0: {  	(erf) = vrcp.f32 v18;
	_ =	sdelay $0x4  }
0xf1: {  	v18 =	vld [tilespmem:$0x3B0];
	_ =	sdelay $0x3  }
0xf2: {  	v17 =	vadd.s32 v4, v17;
	v19 =	vpop (erf)  }
0xf3: {  	v18 =	vmul.f32 v19, v18;
	_ =	sdelay $0x1  }
0xf4: {  	v18 =	vmul.f32 $3.276800000e+04, v18;
	_ =	sdelay $0x1  }
0xf5: {  	[tilespmem:v17+s15+$0x0] =	vst.idx.msk $0xffff, v18  }
0xf6: {  	v17 =	vld [tilespmem:$0x7C0];
	_ =	sdelay $0x7  }
0xf7: {  	v18 =	vld.idx.msk [tilespmem:v17+s14+$0x0], $0xffff;
	_ =	sdelay $0x4  }
0xf8: {  	(erf) = vrcp.f32 v18;
	_ =	sdelay $0x4  }
0xf9: {  	v18 =	vld [tilespmem:$0x3C0];
	_ =	sdelay $0x3  }
0xfa: {  	v17 =	vadd.s32 v5, v17;
	v19 =	vpop (erf)  }
0xfb: {  	v18 =	vmul.f32 v19, v18;
	_ =	sdelay $0x1  }
0xfc: {  	v18 =	vmul.f32 $3.276800000e+04, v18;
	_ =	sdelay $0x1  }
0xfd: {  	[tilespmem:v17+s15+$0x0] =	vst.idx.msk $0xffff, v18  }
0xfe: {  	v17 =	vld [tilespmem:$0x7D0];
	_ =	sdelay $0x7  }
0xff: {  	v18 =	vld.idx.msk [tilespmem:v17+s14+$0x0], $0xffff;
	_ =	sdelay $0x4  }
0x100: {  	(erf) = vrcp.f32 v18;
	_ =	sdelay $0x4  }
0x101: {  	v18 =	vld [tilespmem:$0x3D0];
	_ =	sdelay $0x3  }
0x102: {  	v17 =	vadd.s32 v6, v17;
	v19 =	vpop (erf)  }
0x103: {  	v18 =	vmul.f32 v19, v18;
	_ =	sdelay $0x1  }
0x104: {  	v18 =	vmul.f32 $3.276800000e+04, v18;
	_ =	sdelay $0x1  }
0x105: {  	[tilespmem:v17+s15+$0x0] =	vst.idx.msk $0xffff, v18  }
0x106: {  	v17 =	vld [tilespmem:$0x7E0];
	_ =	sdelay $0x7  }
0x107: {  	v18 =	vld.idx.msk [tilespmem:v17+s14+$0x0], $0xffff;
	_ =	sdelay $0x4  }
0x108: {  	(erf) = vrcp.f32 v18;
	_ =	sdelay $0x4  }
0x109: {  	v18 =	vld [tilespmem:$0x3E0];
	_ =	sdelay $0x3  }
0x10a: {  	v17 =	vadd.s32 v7, v17;
	v19 =	vpop (erf)  }
0x10b: {  	v18 =	vmul.f32 v19, v18;
	_ =	sdelay $0x1  }
0x10c: {  	v18 =	vmul.f32 $3.276800000e+04, v18;
	_ =	sdelay $0x1  }
0x10d: {  	[tilespmem:v17+s15+$0x0] =	vst.idx.msk $0xffff, v18  }
0x10e: {  	v17 =	vld [tilespmem:$0x7F0];
	_ =	sdelay $0x7  }
0x10f: {  	v18 =	vld.idx.msk [tilespmem:v17+s14+$0x0], $0xffff;
	_ =	sdelay $0x4  }
0x110: {  	(erf) = vrcp.f32 v18;
	_ =	sdelay $0x4  }
0x111: {  	v18 =	vld [tilespmem:$0x3F0];
	_ =	sdelay $0x3  }
0x112: {  	v17 =	vadd.s32 v8, v17;
	v19 =	vpop (erf)  }
0x113: {  	v18 =	vmul.f32 v19, v18;
	_ =	sdelay $0x1  }
0x114: {  	v18 =	vmul.f32 $3.276800000e+04, v18;
	_ =	sdelay $0x1  }
0x115: {  	[tilespmem:v17+s15+$0x0] =	vst.idx.msk $0xffff, v18  }
0x116: {  	v17 =	vld [tilespmem:$0x800];
	_ =	sdelay $0x7  }
0x117: {  	v18 =	vld.idx.msk [tilespmem:v17+s14+$0x0], $0xffff;
	_ =	sdelay $0x4  }
0x118: {  	(erf) = vrcp.f32 v18;
	_ =	sdelay $0x4  }
0x119: {  	v18 =	vld [tilespmem:$0x400];
	_ =	sdelay $0x3  }
0x11a: {  	v17 =	vadd.s32 v9, v17;
	v19 =	vpop (erf)  }
0x11b: {  	v18 =	vmul.f32 v19, v18;
	_ =	sdelay $0x1  }
0x11c: {  	v18 =	vmul.f32 $3.276800000e+04, v18;
	_ =	sdelay $0x1  }
0x11d: {  	[tilespmem:v17+s15+$0x0] =	vst.idx.msk $0xffff, v18  }
0x11e: {  	v17 =	vld [tilespmem:$0x810];
	_ =	sdelay $0x7  }
0x11f: {  	v18 =	vld.idx.msk [tilespmem:v17+s14+$0x0], $0xffff;
	_ =	sdelay $0x4  }
0x120: {  	(erf) = vrcp.f32 v18;
	_ =	sdelay $0x4  }
0x121: {  	v18 =	vld [tilespmem:$0x410];
	_ =	sdelay $0x3  }
0x122: {  	v17 =	vadd.s32 v10, v17;
	v19 =	vpop (erf)  }
0x123: {  	v18 =	vmul.f32 v19, v18;
	_ =	sdelay $0x1  }
0x124: {  	v18 =	vmul.f32 $3.276800000e+04, v18;
	_ =	sdelay $0x1  }
0x125: {  	[tilespmem:v17+s15+$0x0] =	vst.idx.msk $0xffff, v18  }
0x126: {  	v17 =	vld [tilespmem:$0x820];
	_ =	sdelay $0x7  }
0x127: {  	v18 =	vld.idx.msk [tilespmem:v17+s14+$0x0], $0xffff;
	_ =	sdelay $0x4  }
0x128: {  	(erf) = vrcp.f32 v18;
	_ =	sdelay $0x4  }
0x129: {  	v18 =	vld [tilespmem:$0x420];
	_ =	sdelay $0x3  }
0x12a: {  	v17 =	vadd.s32 v11, v17;
	v19 =	vpop (erf)  }
0x12b: {  	v18 =	vmul.f32 v19, v18;
	_ =	sdelay $0x1  }
0x12c: {  	v18 =	vmul.f32 $3.276800000e+04, v18;
	_ =	sdelay $0x1  }
0x12d: {  	[tilespmem:v17+s15+$0x0] =	vst.idx.msk $0xffff, v18  }
0x12e: {  	v17 =	vld [tilespmem:$0x830];
	_ =	sdelay $0x7  }
0x12f: {  	v18 =	vld.idx.msk [tilespmem:v17+s14+$0x0], $0xffff;
	_ =	sdelay $0x4  }
0x130: {  	(erf) = vrcp.f32 v18;
	_ =	sdelay $0x4  }
0x131: {  	v18 =	vld [tilespmem:$0x430];
	_ =	sdelay $0x3  }
0x132: {  	v17 =	vadd.s32 v12, v17;
	v19 =	vpop (erf)  }
0x133: {  	v18 =	vmul.f32 v19, v18;
	_ =	sdelay $0x1  }
0x134: {  	v18 =	vmul.f32 $3.276800000e+04, v18;
	_ =	sdelay $0x1  }
0x135: {  	[tilespmem:v17+s15+$0x0] =	vst.idx.msk $0xffff, v18  }
0x136: {  	v17 =	vld [tilespmem:$0x840];
	_ =	sdelay $0x7  }
0x137: {  	v18 =	vld.idx.msk [tilespmem:v17+s14+$0x0], $0xffff;
	_ =	sdelay $0x4  }
0x138: {  	(erf) = vrcp.f32 v18;
	_ =	sdelay $0x4  }
0x139: {  	v18 =	vld [tilespmem:$0x440];
	_ =	sdelay $0x3  }
0x13a: {  	v17 =	vadd.s32 v13, v17;
	v19 =	vpop (erf)  }
0x13b: {  	v18 =	vmul.f32 v19, v18;
	_ =	sdelay $0x1  }
0x13c: {  	v18 =	vmul.f32 $3.276800000e+04, v18;
	_ =	sdelay $0x1  }
0x13d: {  	[tilespmem:v17+s15+$0x0] =	vst.idx.msk $0xffff, v18  }
0x13e: {  	v17 =	vld [tilespmem:$0x850];
	_ =	sdelay $0x7  }
0x13f: {  	v18 =	vld.idx.msk [tilespmem:v17+s14+$0x0], $0xffff;
	_ =	sdelay $0x4  }
0x140: {  	(erf) = vrcp.f32 v18;
	_ =	sdelay $0x4  }
0x141: {  	v18 =	vld [tilespmem:$0x450];
	_ =	sdelay $0x3  }
0x142: {  	v17 =	vadd.s32 v14, v17;
	v19 =	vpop (erf)  }
0x143: {  	v18 =	vmul.f32 v19, v18;
	_ =	sdelay $0x1  }
0x144: {  	v18 =	vmul.f32 $3.276800000e+04, v18;
	_ =	sdelay $0x1  }
0x145: {  	[tilespmem:v17+s15+$0x0] =	vst.idx.msk $0xffff, v18  }
0x146: {  	v17 =	vld [tilespmem:$0x860];
	_ =	sdelay $0x7  }
0x147: {  	v18 =	vld.idx.msk [tilespmem:v17+s14+$0x0], $0xffff;
	_ =	sdelay $0x4  }
0x148: {  	(erf) = vrcp.f32 v18;
	_ =	sdelay $0x4  }
0x149: {  	v18 =	vld [tilespmem:$0x460];
	_ =	sdelay $0x3  }
0x14a: {  	v17 =	vadd.s32 v15, v17;
	v19 =	vpop (erf)  }
0x14b: {  	v18 =	vmul.f32 v19, v18;
	_ =	sdelay $0x1  }
0x14c: {  	v18 =	vmul.f32 $3.276800000e+04, v18;
	_ =	sdelay $0x1  }
0x14d: {  	[tilespmem:v17+s15+$0x0] =	vst.idx.msk $0xffff, v18  }
0x14e: {  	v17 =	vld [tilespmem:$0x870];
	_ =	sdelay $0x7  }
0x14f: {  	v18 =	vld.idx.msk [tilespmem:v17+s14+$0x0], $0xffff;
	_ =	sdelay $0x4  }
0x150: {  	(erf) = vrcp.f32 v18;
	_ =	sdelay $0x4  }
0x151: {  	v18 =	vld [tilespmem:$0x470];
	_ =	sdelay $0x3  }
0x152: {  	v17 =	vadd.s32 v16, v17;
	v19 =	vpop (erf)  }
0x153: {  	v18 =	vmul.f32 v19, v18;
	_ =	sdelay $0x1  }
0x154: {  	v18 =	vmul.f32 $3.276800000e+04, v18;
	_ =	sdelay $0x1  }
0x155: {  	s31 =	simm.s32 $0x0;
	[tilespmem:v17+s15+$0x0] =	vst.idx.msk $0xffff, v18  }
0x156: {  	[hbm4b:s7+s31] =	stream.linear.scatter [tilespmem:s15], [sflag:$0x1], $0x8000, $0x38;
	[tilespmem:$0x8A80] =	vst v63  }
0x157: {  	_ =	swait.ge [sflag:s11], $0x8000  }
0x158: {  	[sflag:s11] =	ssyncset.done $0x0  }
0x159: {  	s18 =	simm.s32 $0x200;
	s17 =	simm.s32 $0x0;
	[sflag:s11] =	ssyncadd.s32 $0xFFFF8000  }
.LBB2_6:
0x15a: {  	p0 =	sne.s32 s18, $0x1FE00;
	[tilespmem:s17+$0xAB0] =	vst v1;
	s19 =	smov.u32 s18;
	s18 =	sadd.s32 $0x200, s18  }
.Ltmp2:
0x15b: {  	[tilespmem:s17+$0xAA0] =	vst v1;
	(pc) =	sbr.rel @p0 .LBB2_6-.Ltmp2, $3  }
0x15c: {  	[tilespmem:s17+$0xA80] =	vst v1  }
0x15d: {  	[tilespmem:s17+$0xA90] =	vst v1;
	_ =	sdelay $0x1  }
0x15e: {  	s17 =	sshra.s32 s19, $0x2  }
0x15f: {  	[tilespmem:s17+$0xAB0] =	vst v1  }
0x160: {  	[tilespmem:s17+$0xAA0] =	vst v1  }
0x161: {  	[tilespmem:s17+$0xA80] =	vst v1  }
0x162: {  	[tilespmem:s17+$0xA90] =	vst v1  }
0x163: {  	v17 =	vld [tilespmem:$0x880];
	_ =	sdelay $0x7  }
0x164: {  	v18 =	vld.idx.msk [tilespmem:v17+s14+$0x0], $0xffff;
	_ =	sdelay $0x4  }
0x165: {  	(erf) = vrcp.f32 v18;
	_ =	sdelay $0x4  }
0x166: {  	v18 =	vld [tilespmem:$0x480];
	_ =	sdelay $0x3  }
0x167: {  	v17 =	vadd.s32 v0, v17;
	v19 =	vpop (erf)  }
0x168: {  	v18 =	vmul.f32 v19, v18;
	_ =	sdelay $0x1  }
0x169: {  	v18 =	vmul.f32 $3.276800000e+04, v18;
	_ =	sdelay $0x1  }
0x16a: {  	[tilespmem:v17+s15+$0x0] =	vst.idx.msk $0xffff, v18  }
0x16b: {  	v17 =	vld [tilespmem:$0x890];
	_ =	sdelay $0x7  }
0x16c: {  	v18 =	vld.idx.msk [tilespmem:v17+s14+$0x0], $0xffff;
	_ =	sdelay $0x4  }
0x16d: {  	(erf) = vrcp.f32 v18;
	_ =	sdelay $0x4  }
0x16e: {  	v18 =	vld [tilespmem:$0x490];
	_ =	sdelay $0x3  }
0x16f: {  	v17 =	vadd.s32 v2, v17;
	v19 =	vpop (erf)  }
0x170: {  	v18 =	vmul.f32 v19, v18;
	_ =	sdelay $0x1  }
0x171: {  	v18 =	vmul.f32 $3.276800000e+04, v18;
	_ =	sdelay $0x1  }
0x172: {  	[tilespmem:v17+s15+$0x0] =	vst.idx.msk $0xffff, v18  }
0x173: {  	v17 =	vld [tilespmem:$0x8A0];
	_ =	sdelay $0x7  }
0x174: {  	v18 =	vld.idx.msk [tilespmem:v17+s14+$0x0], $0xffff;
	_ =	sdelay $0x4  }
0x175: {  	(erf) = vrcp.f32 v18;
	_ =	sdelay $0x4  }
0x176: {  	v18 =	vld [tilespmem:$0x4A0];
	_ =	sdelay $0x3  }
0x177: {  	v17 =	vadd.s32 v3, v17;
	v19 =	vpop (erf)  }
0x178: {  	v18 =	vmul.f32 v19, v18;
	_ =	sdelay $0x1  }
0x179: {  	v18 =	vmul.f32 $3.276800000e+04, v18;
	_ =	sdelay $0x1  }
0x17a: {  	[tilespmem:v17+s15+$0x0] =	vst.idx.msk $0xffff, v18  }
0x17b: {  	v17 =	vld [tilespmem:$0x8B0];
	_ =	sdelay $0x7  }
0x17c: {  	v18 =	vld.idx.msk [tilespmem:v17+s14+$0x0], $0xffff;
	_ =	sdelay $0x4  }
0x17d: {  	(erf) = vrcp.f32 v18;
	_ =	sdelay $0x4  }
0x17e: {  	v18 =	vld [tilespmem:$0x4B0];
	_ =	sdelay $0x3  }
0x17f: {  	v17 =	vadd.s32 v4, v17;
	v19 =	vpop (erf)  }
0x180: {  	v18 =	vmul.f32 v19, v18;
	_ =	sdelay $0x1  }
0x181: {  	v18 =	vmul.f32 $3.276800000e+04, v18;
	_ =	sdelay $0x1  }
0x182: {  	[tilespmem:v17+s15+$0x0] =	vst.idx.msk $0xffff, v18  }
0x183: {  	v17 =	vld [tilespmem:$0x8C0];
	_ =	sdelay $0x7  }
0x184: {  	v18 =	vld.idx.msk [tilespmem:v17+s14+$0x0], $0xffff;
	_ =	sdelay $0x4  }
0x185: {  	(erf) = vrcp.f32 v18;
	_ =	sdelay $0x4  }
0x186: {  	v18 =	vld [tilespmem:$0x4C0];
	_ =	sdelay $0x3  }
0x187: {  	v17 =	vadd.s32 v5, v17;
	v19 =	vpop (erf)  }
0x188: {  	v18 =	vmul.f32 v19, v18;
	_ =	sdelay $0x1  }
0x189: {  	v18 =	vmul.f32 $3.276800000e+04, v18;
	_ =	sdelay $0x1  }
0x18a: {  	[tilespmem:v17+s15+$0x0] =	vst.idx.msk $0xffff, v18  }
0x18b: {  	v17 =	vld [tilespmem:$0x8D0];
	_ =	sdelay $0x7  }
0x18c: {  	v18 =	vld.idx.msk [tilespmem:v17+s14+$0x0], $0xffff;
	_ =	sdelay $0x4  }
0x18d: {  	(erf) = vrcp.f32 v18;
	_ =	sdelay $0x4  }
0x18e: {  	v18 =	vld [tilespmem:$0x4D0];
	_ =	sdelay $0x3  }
0x18f: {  	v17 =	vadd.s32 v6, v17;
	v19 =	vpop (erf)  }
0x190: {  	v18 =	vmul.f32 v19, v18;
	_ =	sdelay $0x1  }
0x191: {  	v18 =	vmul.f32 $3.276800000e+04, v18;
	_ =	sdelay $0x1  }
0x192: {  	[tilespmem:v17+s15+$0x0] =	vst.idx.msk $0xffff, v18  }
0x193: {  	v17 =	vld [tilespmem:$0x8E0];
	_ =	sdelay $0x7  }
0x194: {  	v18 =	vld.idx.msk [tilespmem:v17+s14+$0x0], $0xffff;
	_ =	sdelay $0x4  }
0x195: {  	(erf) = vrcp.f32 v18;
	_ =	sdelay $0x4  }
0x196: {  	v18 =	vld [tilespmem:$0x4E0];
	_ =	sdelay $0x3  }
0x197: {  	v17 =	vadd.s32 v7, v17;
	v19 =	vpop (erf)  }
0x198: {  	v18 =	vmul.f32 v19, v18;
	_ =	sdelay $0x1  }
0x199: {  	v18 =	vmul.f32 $3.276800000e+04, v18;
	_ =	sdelay $0x1  }
0x19a: {  	[tilespmem:v17+s15+$0x0] =	vst.idx.msk $0xffff, v18  }
0x19b: {  	v17 =	vld [tilespmem:$0x8F0];
	_ =	sdelay $0x7  }
0x19c: {  	v18 =	vld.idx.msk [tilespmem:v17+s14+$0x0], $0xffff;
	_ =	sdelay $0x4  }
0x19d: {  	(erf) = vrcp.f32 v18;
	_ =	sdelay $0x4  }
0x19e: {  	v18 =	vld [tilespmem:$0x4F0];
	_ =	sdelay $0x3  }
0x19f: {  	v17 =	vadd.s32 v8, v17;
	v19 =	vpop (erf)  }
0x1a0: {  	v18 =	vmul.f32 v19, v18;
	_ =	sdelay $0x1  }
0x1a1: {  	v18 =	vmul.f32 $3.276800000e+04, v18;
	_ =	sdelay $0x1  }
0x1a2: {  	[tilespmem:v17+s15+$0x0] =	vst.idx.msk $0xffff, v18  }
0x1a3: {  	v17 =	vld [tilespmem:$0x900];
	_ =	sdelay $0x7  }
0x1a4: {  	v18 =	vld.idx.msk [tilespmem:v17+s14+$0x0], $0xffff;
	_ =	sdelay $0x4  }
0x1a5: {  	(erf) = vrcp.f32 v18;
	_ =	sdelay $0x4  }
0x1a6: {  	v18 =	vld [tilespmem:$0x500];
	_ =	sdelay $0x3  }
0x1a7: {  	v17 =	vadd.s32 v9, v17;
	v19 =	vpop (erf)  }
0x1a8: {  	v18 =	vmul.f32 v19, v18;
	_ =	sdelay $0x1  }
0x1a9: {  	v18 =	vmul.f32 $3.276800000e+04, v18;
	_ =	sdelay $0x1  }
0x1aa: {  	[tilespmem:v17+s15+$0x0] =	vst.idx.msk $0xffff, v18  }
0x1ab: {  	v17 =	vld [tilespmem:$0x910];
	_ =	sdelay $0x7  }
0x1ac: {  	v18 =	vld.idx.msk [tilespmem:v17+s14+$0x0], $0xffff;
	_ =	sdelay $0x4  }
0x1ad: {  	(erf) = vrcp.f32 v18;
	_ =	sdelay $0x4  }
0x1ae: {  	v18 =	vld [tilespmem:$0x510];
	_ =	sdelay $0x3  }
0x1af: {  	v17 =	vadd.s32 v10, v17;
	v19 =	vpop (erf)  }
0x1b0: {  	v18 =	vmul.f32 v19, v18;
	_ =	sdelay $0x1  }
0x1b1: {  	v18 =	vmul.f32 $3.276800000e+04, v18;
	_ =	sdelay $0x1  }
0x1b2: {  	[tilespmem:v17+s15+$0x0] =	vst.idx.msk $0xffff, v18  }
0x1b3: {  	v17 =	vld [tilespmem:$0x920];
	_ =	sdelay $0x7  }
0x1b4: {  	v18 =	vld.idx.msk [tilespmem:v17+s14+$0x0], $0xffff;
	_ =	sdelay $0x4  }
0x1b5: {  	(erf) = vrcp.f32 v18;
	_ =	sdelay $0x4  }
0x1b6: {  	v18 =	vld [tilespmem:$0x520];
	_ =	sdelay $0x3  }
0x1b7: {  	v17 =	vadd.s32 v11, v17;
	v19 =	vpop (erf)  }
0x1b8: {  	v18 =	vmul.f32 v19, v18;
	_ =	sdelay $0x1  }
0x1b9: {  	v18 =	vmul.f32 $3.276800000e+04, v18;
	_ =	sdelay $0x1  }
0x1ba: {  	[tilespmem:v17+s15+$0x0] =	vst.idx.msk $0xffff, v18  }
0x1bb: {  	v17 =	vld [tilespmem:$0x930];
	_ =	sdelay $0x7  }
0x1bc: {  	v18 =	vld.idx.msk [tilespmem:v17+s14+$0x0], $0xffff;
	_ =	sdelay $0x4  }
0x1bd: {  	(erf) = vrcp.f32 v18;
	_ =	sdelay $0x4  }
0x1be: {  	v18 =	vld [tilespmem:$0x530];
	_ =	sdelay $0x3  }
0x1bf: {  	v17 =	vadd.s32 v12, v17;
	v19 =	vpop (erf)  }
0x1c0: {  	v18 =	vmul.f32 v19, v18;
	_ =	sdelay $0x1  }
0x1c1: {  	v18 =	vmul.f32 $3.276800000e+04, v18;
	_ =	sdelay $0x1  }
0x1c2: {  	[tilespmem:v17+s15+$0x0] =	vst.idx.msk $0xffff, v18  }
0x1c3: {  	v17 =	vld [tilespmem:$0x940];
	_ =	sdelay $0x7  }
0x1c4: {  	v18 =	vld.idx.msk [tilespmem:v17+s14+$0x0], $0xffff;
	_ =	sdelay $0x4  }
0x1c5: {  	(erf) = vrcp.f32 v18;
	_ =	sdelay $0x4  }
0x1c6: {  	v18 =	vld [tilespmem:$0x540];
	_ =	sdelay $0x3  }
0x1c7: {  	v17 =	vadd.s32 v13, v17;
	v19 =	vpop (erf)  }
0x1c8: {  	v18 =	vmul.f32 v19, v18;
	_ =	sdelay $0x1  }
0x1c9: {  	v18 =	vmul.f32 $3.276800000e+04, v18;
	_ =	sdelay $0x1  }
0x1ca: {  	[tilespmem:v17+s15+$0x0] =	vst.idx.msk $0xffff, v18  }
0x1cb: {  	v17 =	vld [tilespmem:$0x950];
	_ =	sdelay $0x7  }
0x1cc: {  	v18 =	vld.idx.msk [tilespmem:v17+s14+$0x0], $0xffff;
	_ =	sdelay $0x4  }
0x1cd: {  	(erf) = vrcp.f32 v18;
	_ =	sdelay $0x4  }
0x1ce: {  	v18 =	vld [tilespmem:$0x550];
	_ =	sdelay $0x3  }
0x1cf: {  	v17 =	vadd.s32 v14, v17;
	v19 =	vpop (erf)  }
0x1d0: {  	v18 =	vmul.f32 v19, v18;
	_ =	sdelay $0x1  }
0x1d1: {  	v18 =	vmul.f32 $3.276800000e+04, v18;
	_ =	sdelay $0x1  }
0x1d2: {  	[tilespmem:v17+s15+$0x0] =	vst.idx.msk $0xffff, v18  }
0x1d3: {  	v17 =	vld [tilespmem:$0x960];
	_ =	sdelay $0x7  }
0x1d4: {  	v18 =	vld.idx.msk [tilespmem:v17+s14+$0x0], $0xffff;
	_ =	sdelay $0x4  }
0x1d5: {  	(erf) = vrcp.f32 v18;
	_ =	sdelay $0x4  }
0x1d6: {  	v18 =	vld [tilespmem:$0x560];
	_ =	sdelay $0x3  }
0x1d7: {  	v17 =	vadd.s32 v15, v17;
	v19 =	vpop (erf)  }
0x1d8: {  	v18 =	vmul.f32 v19, v18;
	_ =	sdelay $0x1  }
0x1d9: {  	v18 =	vmul.f32 $3.276800000e+04, v18;
	_ =	sdelay $0x1  }
0x1da: {  	[tilespmem:v17+s15+$0x0] =	vst.idx.msk $0xffff, v18  }
0x1db: {  	v17 =	vld [tilespmem:$0x970];
	_ =	sdelay $0x7  }
0x1dc: {  	v18 =	vld.idx.msk [tilespmem:v17+s14+$0x0], $0xffff;
	_ =	sdelay $0x4  }
0x1dd: {  	(erf) = vrcp.f32 v18;
	_ =	sdelay $0x4  }
0x1de: {  	v18 =	vld [tilespmem:$0x570];
	_ =	sdelay $0x3  }
0x1df: {  	v17 =	vadd.s32 v16, v17;
	v19 =	vpop (erf)  }
0x1e0: {  	v18 =	vmul.f32 v19, v18;
	_ =	sdelay $0x1  }
0x1e1: {  	v18 =	vmul.f32 $3.276800000e+04, v18;
	_ =	sdelay $0x1  }
0x1e2: {  	s31 =	simm.s32 $0x0;
	[tilespmem:v17+s15+$0x0] =	vst.idx.msk $0xffff, v18  }
0x1e3: {  	[hbm4b:s8+s31] =	stream.linear.scatter [tilespmem:s15], [sflag:$0x1], $0x8000, $0x38;
	[tilespmem:$0x8A80] =	vst v63  }
0x1e4: {  	_ =	swait.ge [sflag:s11], $0x8000  }
0x1e5: {  	[sflag:s11] =	ssyncset.done $0x0  }
0x1e6: {  	s18 =	simm.s32 $0x200;
	s17 =	simm.s32 $0x0;
	[sflag:s11] =	ssyncadd.s32 $0xFFFF8000  }
.LBB2_8:
0x1e7: {  	p0 =	sne.s32 s18, $0x1FE00;
	[tilespmem:s17+$0xAB0] =	vst v1;
	s19 =	smov.u32 s18;
	s18 =	sadd.s32 $0x200, s18  }
.Ltmp3:
0x1e8: {  	[tilespmem:s17+$0xAA0] =	vst v1;
	(pc) =	sbr.rel @p0 .LBB2_8-.Ltmp3, $3  }
0x1e9: {  	[tilespmem:s17+$0xA80] =	vst v1  }
0x1ea: {  	[tilespmem:s17+$0xA90] =	vst v1;
	_ =	sdelay $0x1  }
0x1eb: {  	s17 =	sshra.s32 s19, $0x2  }
0x1ec: {  	[tilespmem:s17+$0xAB0] =	vst v1  }
0x1ed: {  	[tilespmem:s17+$0xAA0] =	vst v1  }
0x1ee: {  	[tilespmem:s17+$0xA80] =	vst v1  }
0x1ef: {  	[tilespmem:s17+$0xA90] =	vst v1  }
0x1f0: {  	v17 =	vld [tilespmem:$0x980];
	_ =	sdelay $0x7  }
0x1f1: {  	v18 =	vld.idx.msk [tilespmem:v17+s14+$0x0], $0xffff;
	_ =	sdelay $0x4  }
0x1f2: {  	(erf) = vrcp.f32 v18;
	_ =	sdelay $0x4  }
0x1f3: {  	v18 =	vld [tilespmem:$0x580];
	_ =	sdelay $0x3  }
0x1f4: {  	v17 =	vadd.s32 v0, v17;
	v19 =	vpop (erf)  }
0x1f5: {  	v18 =	vmul.f32 v19, v18;
	_ =	sdelay $0x1  }
0x1f6: {  	v18 =	vmul.f32 $3.276800000e+04, v18;
	_ =	sdelay $0x1  }
0x1f7: {  	[tilespmem:v17+s15+$0x0] =	vst.idx.msk $0xffff, v18  }
0x1f8: {  	v17 =	vld [tilespmem:$0x990];
	_ =	sdelay $0x7  }
0x1f9: {  	v18 =	vld.idx.msk [tilespmem:v17+s14+$0x0], $0xffff;
	_ =	sdelay $0x4  }
0x1fa: {  	(erf) = vrcp.f32 v18;
	_ =	sdelay $0x4  }
0x1fb: {  	v18 =	vld [tilespmem:$0x590];
	_ =	sdelay $0x3  }
0x1fc: {  	v17 =	vadd.s32 v2, v17;
	v19 =	vpop (erf)  }
0x1fd: {  	v18 =	vmul.f32 v19, v18;
	_ =	sdelay $0x1  }
0x1fe: {  	v18 =	vmul.f32 $3.276800000e+04, v18;
	_ =	sdelay $0x1  }
0x1ff: {  	[tilespmem:v17+s15+$0x0] =	vst.idx.msk $0xffff, v18  }
0x200: {  	v17 =	vld [tilespmem:$0x9A0];
	_ =	sdelay $0x7  }
0x201: {  	v18 =	vld.idx.msk [tilespmem:v17+s14+$0x0], $0xffff;
	_ =	sdelay $0x4  }
0x202: {  	(erf) = vrcp.f32 v18;
	_ =	sdelay $0x4  }
0x203: {  	v18 =	vld [tilespmem:$0x5A0];
	_ =	sdelay $0x3  }
0x204: {  	v17 =	vadd.s32 v3, v17;
	v19 =	vpop (erf)  }
0x205: {  	v18 =	vmul.f32 v19, v18;
	_ =	sdelay $0x1  }
0x206: {  	v18 =	vmul.f32 $3.276800000e+04, v18;
	_ =	sdelay $0x1  }
0x207: {  	[tilespmem:v17+s15+$0x0] =	vst.idx.msk $0xffff, v18  }
0x208: {  	v17 =	vld [tilespmem:$0x9B0];
	_ =	sdelay $0x7  }
0x209: {  	v18 =	vld.idx.msk [tilespmem:v17+s14+$0x0], $0xffff;
	_ =	sdelay $0x4  }
0x20a: {  	(erf) = vrcp.f32 v18;
	_ =	sdelay $0x4  }
0x20b: {  	v18 =	vld [tilespmem:$0x5B0];
	_ =	sdelay $0x3  }
0x20c: {  	v17 =	vadd.s32 v4, v17;
	v19 =	vpop (erf)  }
0x20d: {  	v18 =	vmul.f32 v19, v18;
	_ =	sdelay $0x1  }
0x20e: {  	v18 =	vmul.f32 $3.276800000e+04, v18;
	_ =	sdelay $0x1  }
0x20f: {  	[tilespmem:v17+s15+$0x0] =	vst.idx.msk $0xffff, v18  }
0x210: {  	v17 =	vld [tilespmem:$0x9C0];
	_ =	sdelay $0x7  }
0x211: {  	v18 =	vld.idx.msk [tilespmem:v17+s14+$0x0], $0xffff;
	_ =	sdelay $0x4  }
0x212: {  	(erf) = vrcp.f32 v18;
	_ =	sdelay $0x4  }
0x213: {  	v18 =	vld [tilespmem:$0x5C0];
	_ =	sdelay $0x3  }
0x214: {  	v17 =	vadd.s32 v5, v17;
	v19 =	vpop (erf)  }
0x215: {  	v18 =	vmul.f32 v19, v18;
	_ =	sdelay $0x1  }
0x216: {  	v18 =	vmul.f32 $3.276800000e+04, v18;
	_ =	sdelay $0x1  }
0x217: {  	[tilespmem:v17+s15+$0x0] =	vst.idx.msk $0xffff, v18  }
0x218: {  	v17 =	vld [tilespmem:$0x9D0];
	_ =	sdelay $0x7  }
0x219: {  	v18 =	vld.idx.msk [tilespmem:v17+s14+$0x0], $0xffff;
	_ =	sdelay $0x4  }
0x21a: {  	(erf) = vrcp.f32 v18;
	_ =	sdelay $0x4  }
0x21b: {  	v18 =	vld [tilespmem:$0x5D0];
	_ =	sdelay $0x3  }
0x21c: {  	v17 =	vadd.s32 v6, v17;
	v19 =	vpop (erf)  }
0x21d: {  	v18 =	vmul.f32 v19, v18;
	_ =	sdelay $0x1  }
0x21e: {  	v18 =	vmul.f32 $3.276800000e+04, v18;
	_ =	sdelay $0x1  }
0x21f: {  	[tilespmem:v17+s15+$0x0] =	vst.idx.msk $0xffff, v18  }
0x220: {  	v17 =	vld [tilespmem:$0x9E0];
	_ =	sdelay $0x7  }
0x221: {  	v18 =	vld.idx.msk [tilespmem:v17+s14+$0x0], $0xffff;
	_ =	sdelay $0x4  }
0x222: {  	(erf) = vrcp.f32 v18;
	_ =	sdelay $0x4  }
0x223: {  	v18 =	vld [tilespmem:$0x5E0];
	_ =	sdelay $0x3  }
0x224: {  	v17 =	vadd.s32 v7, v17;
	v19 =	vpop (erf)  }
0x225: {  	v18 =	vmul.f32 v19, v18;
	_ =	sdelay $0x1  }
0x226: {  	v18 =	vmul.f32 $3.276800000e+04, v18;
	_ =	sdelay $0x1  }
0x227: {  	[tilespmem:v17+s15+$0x0] =	vst.idx.msk $0xffff, v18  }
0x228: {  	v17 =	vld [tilespmem:$0x9F0];
	_ =	sdelay $0x7  }
0x229: {  	v18 =	vld.idx.msk [tilespmem:v17+s14+$0x0], $0xffff;
	_ =	sdelay $0x4  }
0x22a: {  	(erf) = vrcp.f32 v18;
	_ =	sdelay $0x4  }
0x22b: {  	v18 =	vld [tilespmem:$0x5F0];
	_ =	sdelay $0x3  }
0x22c: {  	v17 =	vadd.s32 v8, v17;
	v19 =	vpop (erf)  }
0x22d: {  	v18 =	vmul.f32 v19, v18;
	_ =	sdelay $0x1  }
0x22e: {  	v18 =	vmul.f32 $3.276800000e+04, v18;
	_ =	sdelay $0x1  }
0x22f: {  	[tilespmem:v17+s15+$0x0] =	vst.idx.msk $0xffff, v18  }
0x230: {  	v17 =	vld [tilespmem:$0xA00];
	_ =	sdelay $0x7  }
0x231: {  	v18 =	vld.idx.msk [tilespmem:v17+s14+$0x0], $0xffff;
	_ =	sdelay $0x4  }
0x232: {  	(erf) = vrcp.f32 v18;
	_ =	sdelay $0x4  }
0x233: {  	v18 =	vld [tilespmem:$0x600];
	_ =	sdelay $0x3  }
0x234: {  	v17 =	vadd.s32 v9, v17;
	v19 =	vpop (erf)  }
0x235: {  	v18 =	vmul.f32 v19, v18;
	_ =	sdelay $0x1  }
0x236: {  	v18 =	vmul.f32 $3.276800000e+04, v18;
	_ =	sdelay $0x1  }
0x237: {  	[tilespmem:v17+s15+$0x0] =	vst.idx.msk $0xffff, v18  }
0x238: {  	v17 =	vld [tilespmem:$0xA10];
	_ =	sdelay $0x7  }
0x239: {  	v18 =	vld.idx.msk [tilespmem:v17+s14+$0x0], $0xffff;
	_ =	sdelay $0x4  }
0x23a: {  	(erf) = vrcp.f32 v18;
	_ =	sdelay $0x4  }
0x23b: {  	v18 =	vld [tilespmem:$0x610];
	_ =	sdelay $0x3  }
0x23c: {  	v17 =	vadd.s32 v10, v17;
	v19 =	vpop (erf)  }
0x23d: {  	v18 =	vmul.f32 v19, v18;
	_ =	sdelay $0x1  }
0x23e: {  	v18 =	vmul.f32 $3.276800000e+04, v18;
	_ =	sdelay $0x1  }
0x23f: {  	[tilespmem:v17+s15+$0x0] =	vst.idx.msk $0xffff, v18  }
0x240: {  	v17 =	vld [tilespmem:$0xA20];
	_ =	sdelay $0x7  }
0x241: {  	v18 =	vld.idx.msk [tilespmem:v17+s14+$0x0], $0xffff;
	_ =	sdelay $0x4  }
0x242: {  	(erf) = vrcp.f32 v18;
	_ =	sdelay $0x4  }
0x243: {  	v18 =	vld [tilespmem:$0x620];
	_ =	sdelay $0x3  }
0x244: {  	v17 =	vadd.s32 v11, v17;
	v19 =	vpop (erf)  }
0x245: {  	v18 =	vmul.f32 v19, v18;
	_ =	sdelay $0x1  }
0x246: {  	v18 =	vmul.f32 $3.276800000e+04, v18;
	_ =	sdelay $0x1  }
0x247: {  	[tilespmem:v17+s15+$0x0] =	vst.idx.msk $0xffff, v18  }
0x248: {  	v17 =	vld [tilespmem:$0xA30];
	_ =	sdelay $0x7  }
0x249: {  	v18 =	vld.idx.msk [tilespmem:v17+s14+$0x0], $0xffff;
	_ =	sdelay $0x4  }
0x24a: {  	(erf) = vrcp.f32 v18;
	_ =	sdelay $0x4  }
0x24b: {  	v18 =	vld [tilespmem:$0x630];
	_ =	sdelay $0x3  }
0x24c: {  	v17 =	vadd.s32 v12, v17;
	v19 =	vpop (erf)  }
0x24d: {  	v18 =	vmul.f32 v19, v18;
	_ =	sdelay $0x1  }
0x24e: {  	v18 =	vmul.f32 $3.276800000e+04, v18;
	_ =	sdelay $0x1  }
0x24f: {  	[tilespmem:v17+s15+$0x0] =	vst.idx.msk $0xffff, v18  }
0x250: {  	v17 =	vld [tilespmem:$0xA40];
	_ =	sdelay $0x7  }
0x251: {  	v18 =	vld.idx.msk [tilespmem:v17+s14+$0x0], $0xffff;
	_ =	sdelay $0x4  }
0x252: {  	(erf) = vrcp.f32 v18;
	_ =	sdelay $0x4  }
0x253: {  	v18 =	vld [tilespmem:$0x640];
	_ =	sdelay $0x3  }
0x254: {  	v17 =	vadd.s32 v13, v17;
	v19 =	vpop (erf)  }
0x255: {  	v18 =	vmul.f32 v19, v18;
	_ =	sdelay $0x1  }
0x256: {  	v18 =	vmul.f32 $3.276800000e+04, v18;
	_ =	sdelay $0x1  }
0x257: {  	[tilespmem:v17+s15+$0x0] =	vst.idx.msk $0xffff, v18  }
0x258: {  	v17 =	vld [tilespmem:$0xA50];
	_ =	sdelay $0x7  }
0x259: {  	v18 =	vld.idx.msk [tilespmem:v17+s14+$0x0], $0xffff;
	_ =	sdelay $0x4  }
0x25a: {  	(erf) = vrcp.f32 v18;
	_ =	sdelay $0x4  }
0x25b: {  	v18 =	vld [tilespmem:$0x650];
	_ =	sdelay $0x3  }
0x25c: {  	v17 =	vadd.s32 v14, v17;
	v19 =	vpop (erf)  }
0x25d: {  	v18 =	vmul.f32 v19, v18;
	_ =	sdelay $0x1  }
0x25e: {  	v18 =	vmul.f32 $3.276800000e+04, v18;
	_ =	sdelay $0x1  }
0x25f: {  	[tilespmem:v17+s15+$0x0] =	vst.idx.msk $0xffff, v18  }
0x260: {  	v17 =	vld [tilespmem:$0xA60];
	_ =	sdelay $0x7  }
0x261: {  	v18 =	vld.idx.msk [tilespmem:v17+s14+$0x0], $0xffff;
	_ =	sdelay $0x4  }
0x262: {  	(erf) = vrcp.f32 v18;
	_ =	sdelay $0x4  }
0x263: {  	v18 =	vld [tilespmem:$0x660];
	_ =	sdelay $0x3  }
0x264: {  	v17 =	vadd.s32 v15, v17;
	v19 =	vpop (erf)  }
0x265: {  	v18 =	vmul.f32 v19, v18;
	_ =	sdelay $0x1  }
0x266: {  	v18 =	vmul.f32 $3.276800000e+04, v18;
	_ =	sdelay $0x1  }
0x267: {  	[tilespmem:v17+s15+$0x0] =	vst.idx.msk $0xffff, v18  }
0x268: {  	v17 =	vld [tilespmem:$0xA70];
	_ =	sdelay $0x7  }
0x269: {  	v18 =	vld.idx.msk [tilespmem:v17+s14+$0x0], $0xffff;
	_ =	sdelay $0x4  }
0x26a: {  	(erf) = vrcp.f32 v18;
	_ =	sdelay $0x4  }
0x26b: {  	v18 =	vld [tilespmem:$0x670];
	_ =	sdelay $0x3  }
0x26c: {  	v17 =	vadd.s32 v16, v17;
	v19 =	vpop (erf)  }
0x26d: {  	v18 =	vmul.f32 v19, v18;
	_ =	sdelay $0x1  }
0x26e: {  	s16 =	sadd.s32 $0x1, s16;
	v18 =	vmul.f32 $3.276800000e+04, v18  }
0x26f: {  	p0 =	sne.s32 s16, s10  }
.Ltmp4:
0x270: {  	[tilespmem:v17+s15+$0x0] =	vst.idx.msk $0xffff, v18;
	(pc) =	sbr.rel @p0 .LBB2_1-.Ltmp4, $4  }
0x271: {  	[hbm4b:s9+s2] =	stream.linear.scatter [tilespmem:s15], [sflag:$0x1], $0x8000, $0x38;
	[tilespmem:$0x8A80] =	vst v63  }
0x272: {  	_ =	swait.ge [sflag:s11], $0x8000  }
0x273: {  	[sflag:s11] =	ssyncset.done $0x0  }
0x274: {  	[sflag:s11] =	ssyncadd.s32 $0xFFFF8000  }
0x275: {  	_ =	sfence.sel $0x180000  }
0x276: {  	[bflag:$0x0] =	sbarrier.arrive $0xFFFF  }
0x277: {  	p0 =	sne.s32 s1, $0x0;
	_ =	strace $0x90000047  }
0x278: {  	s0 =	sadd.s32 @!p0 $0x100000, s0;
	[bflag:$0x2] =	sbarrier.arrive $0xFFFF  }
0x279: {  	[sflag:s0] =	ssyncadd.tile.s32 @!p0 $0x1;
	_ =	shalt  }
.Lfunc_end2:
_tile_overlayer_lowered:
.L_overlay_start_2:
0x27a: {  	(tag) =	ssettag $0x2  }
0x27b: {  	s0 =	rddreg [dreg:$0x0];
	s2 =	stileid.u32  }
0x27c: {  	s1 =	rddreg [dreg:$0x1];
	p0 =	sne.s32 s2, $0x0  }
0x27d: {  	s3 =	rddreg [dreg:$0x2];
	[bflag:$0x3] =	sbarrier.arrive $0xFFFF;
	s2 =	simm.s32 @!p0 $0x1C01  }
0x27e: {  	[timem:s3], [sflag:s2] =	dma.local @!p0 [hbm:s0], s1  }
0x27f: {  	s0 =	simm.s32 @!p0 $0x1  }
0x280: {  	_ =	swait.ge @!p0 [sflag:s0], s1  }
0x281: {  	s1 =	ssub.s32 @!p0 $0x0, s1;
	[sflag:s0] =	ssyncset.done @!p0 $0x0  }
0x282: {  	[sflag:s0] =	ssyncadd.s32 @!p0 s1  }
0x283: {  	[bflag:$0x3] =	sbarrier.arrive $0xFFFF  }
0x284: {  	_ =	shalt  }

</sc_bundles>
